<compile_context>
chip_gen: v7x
topology: tpu7x:2x2x1
jax: 0.10.2.dev20260603
libtpu: 0.0.44.dev20260713+nightly
codegen_flags: <defaults>
</compile_context>

<pallas_src>
import jax
import jax.numpy as jnp
from jax import lax
from jax.experimental import pallas as pl
from jax.experimental.pallas import tpu as pltpu
from jax.experimental.pallas import tpu_sc as plsc

VOCAB = 1000000
EMBED_DIM = 32
BATCH = 4096
TIME = 200
NUM_IDX = BATCH * TIME
NC, NS = 2, 16
NW = NC * NS
PER_W = NUM_IDX // NW
CHUNK = 512
NCH = PER_W // CHUNK
PAD = 131
NLB = CHUNK // 128

P_SHAPE = (TIME, EMBED_DIM // 8, BATCH // 128, 8, 128)


def _body(idx_hbm, tab_hbm, out_hbm, idx_v0, idx_v1, g_v0, g_v1,
          s_v0, s_v1, gsem0, gsem1, osem0, osem1):
    wid = lax.axis_index("s") * NC + lax.axis_index("c")
    base = wid * PER_W
    idx_v = (idx_v0, idx_v1)
    g_v = (g_v0, g_v1)
    s_v = (s_v0, s_v1)
    gsems = (gsem0, gsem1)
    osems = (osem0, osem1)
    zeros = jnp.zeros((16,), jnp.int32)

    def load_idx(j, b):
        pltpu.sync_copy(idx_hbm.at[pl.ds(base + j * CHUNK, CHUNK)], idx_v[b])

    def start_gather(b):
        return pltpu.async_copy(tab_hbm.at[idx_v[b]], g_v[b], gsems[b])

    se_vs = [lax.iota(jnp.int32, 16) // 8 + 2 * h for h in range(2)]
    er_vs = [lax.iota(jnp.int32, 16) % 8 for _ in range(2)]

    def transpose(b):
        S = s_v[b]
        G = g_v[b]

        def p2(r4, _):
            r0 = 4 * r4
            lb = r0 // 128
            lbv = zeros + lb
            for d in range(4):
                r = r0 + d
                bcv = zeros + (r % 128)
                for h in range(2):
                    v = G[r, pl.ds(16 * h, 16)]
                    plsc.store_scatter(S, [se_vs[h], lbv, er_vs[h], bcv], v)
            return 0

        lax.fori_loop(0, CHUNK // 4, p2, 0, unroll=False)

    def start_store(j, b):
        flat = base + j * CHUNK
        t = flat // BATCH
        lb0 = (flat % BATCH) // 128
        return pltpu.async_copy(
            s_v[b].at[:, :, :, pl.ds(0, 128)],
            out_hbm.at[t, :, pl.ds(lb0, NLB)], osems[b]
        )

    def wait_gather(b):
        pltpu.make_async_copy(tab_hbm.at[idx_v[b]], g_v[b], gsems[b]).wait()

    def wait_store(b):
        pltpu.make_async_copy(
            s_v[b].at[:, :, :, pl.ds(0, 128)],
            out_hbm.at[0, :, pl.ds(0, NLB)], osems[b]
        ).wait()

    load_idx(0, 0)
    start_gather(0)
    load_idx(1, 1)
    start_gather(1)
    wait_gather(0)
    transpose(0)
    start_store(0, 0)
    load_idx(2, 0)
    start_gather(0)
    wait_gather(1)
    transpose(1)
    start_store(1, 1)

    @pl.loop(1, NCH // 2)
    def _pair(p):
        jj = 2 * p
        load_idx(jj + 1, 1)
        start_gather(1)
        wait_gather(0)
        wait_store(0)
        transpose(0)
        start_store(jj, 0)

        @pl.when(jj + 2 < NCH)
        def _prefetch():
            load_idx(jj + 2, 0)
            start_gather(0)

        wait_gather(1)
        wait_store(1)
        transpose(1)
        start_store(jj + 1, 1)

    wait_store(0)
    wait_store(1)


def _make_call():
    mesh = plsc.VectorSubcoreMesh(
        core_axis_name="c", subcore_axis_name="s", num_cores=NC, num_subcores=NS
    )
    return pl.kernel(
        _body,
        out_type=jax.ShapeDtypeStruct(P_SHAPE, jnp.float32),
        mesh=mesh,
        scratch_types=[
            pltpu.VMEM((CHUNK,), jnp.int32),
            pltpu.VMEM((CHUNK,), jnp.int32),
            pltpu.VMEM((CHUNK, EMBED_DIM), jnp.float32),
            pltpu.VMEM((CHUNK, EMBED_DIM), jnp.float32),
            pltpu.VMEM((EMBED_DIM // 8, NLB, 8, PAD), jnp.float32),
            pltpu.VMEM((EMBED_DIM // 8, NLB, 8, PAD), jnp.float32),
            pltpu.SemaphoreType.DMA,
            pltpu.SemaphoreType.DMA,
            pltpu.SemaphoreType.DMA,
            pltpu.SemaphoreType.DMA,
        ],
        compiler_params=pltpu.CompilerParams(
            use_tc_tiling_on_sc=False, needs_layout_passes=False
        ),
    )


@jax.jit
def kernel(items, table):
    idx = items.T.reshape(-1).astype(jnp.int32)
    outP = _make_call()(idx, table)
    return outP.transpose(2, 4, 0, 1, 3).reshape(BATCH, TIME, EMBED_DIM)

# --- scband reference (transcript-rebuilt; emitter-appended) ---
"""Pipeline reference for scband-categorical-encoding-87033217286170 (READ-ONLY COPY).

The authoritative reference and input builder live on the scoring server;
editing this copy changes nothing except your own understanding.
"""

import jax, jax.numpy as jnp
import numpy as np

VOCAB = 1000000
EMBED_DIM = 32
BATCH = 4096
TIMESTEPS = 200

def setup_inputs(seed: int = 0) -> dict:
    key = jax.random.key(seed)
    k_idx, k_tab = jax.random.split(key)
    items = jax.random.randint(k_idx, (BATCH, TIMESTEPS), 0, VOCAB, dtype=jnp.int64 if jax.config.jax_enable_x64 else jnp.int32)
    table = jax.random.normal(k_tab, (VOCAB, EMBED_DIM), dtype=jnp.float32)
    return {"items": items, "table": table}

def reference(items, table):
    # nn.Embedding forward: row gather from embedding table
    return jnp.take(table, items, axis=0)

if __name__ == "__main__":
    import jax
    _d = setup_inputs()
    print(jax.jit(kernel)(*tuple(_d.values())))

</pallas_src>

<mosaic_0001>
#map = affine_map<(d0, d1) -> (0)>
#map1 = affine_map<(d0, d1) -> (0, 0)>
#map2 = affine_map<(d0, d1) -> (0, 0, 0, 0, 0)>
module attributes {stable_mosaic.version = 14 : i64} {
  func.func @_body(%arg0: i32, %arg1: i32, %arg2: memref<819200xi32, #tpu.memory_space<hbm>>, %arg3: memref<1000000x32xf32, #tpu.memory_space<hbm>>, %arg4: memref<200x4x32x8x128xf32, #tpu.memory_space<hbm>>, %arg5: memref<512xi32, #tpu.memory_space<vmem>>, %arg6: memref<512xi32, #tpu.memory_space<vmem>>, %arg7: memref<512x32xf32, #tpu.memory_space<vmem>>, %arg8: memref<512x32xf32, #tpu.memory_space<vmem>>, %arg9: memref<4x4x8x131xf32, #tpu.memory_space<vmem>>, %arg10: memref<4x4x8x131xf32, #tpu.memory_space<vmem>>, %arg11: memref<!tpu.dma_semaphore, #tpu.memory_space<semaphore_mem>>, %arg12: memref<!tpu.dma_semaphore, #tpu.memory_space<semaphore_mem>>, %arg13: memref<!tpu.dma_semaphore, #tpu.memory_space<semaphore_mem>>, %arg14: memref<!tpu.dma_semaphore, #tpu.memory_space<semaphore_mem>>) attributes {dimension_semantics = [#tpu.dimension_semantics<core_parallel>, #tpu.dimension_semantics<subcore_parallel>], iteration_bounds = array<i64: 2, 16>, scalar_prefetch = 0 : i64, scratch_operands = 10 : i64, tpu.core_type = #tpu.core_type<sc_vector_subcore>, window_params = [{transform_indices = #map}, {transform_indices = #map1}, {transform_indices = #map2}]} {
    %mul3A = arith.constant 2 : i32
    %mul3A_0 = arith.muli %arg1, %mul3A : i32
    %add3A = arith.addi %mul3A_0, %arg0 : i32
    %mul3A_1 = arith.constant 25600 : i32
    %mul3A_2 = arith.muli %add3A, %mul3A_1 : i32
    %broadcast_in_dim3A = arith.constant 0 : i32
    %broadcast_in_dim3A_3 = vector.broadcast %broadcast_in_dim3A : i32 to vector<16xi32>
    %iota3A = tpu.iota {dimensions = array<i32: 0>} : vector<16xi32>
    %jit3A = arith.constant 8 : i32
    %div3A = vector.broadcast %jit3A : i32 to vector<16xi32>
    %div3A_4 = arith.divsi %iota3A, %div3A : vector<16xi32>
    %sign3A = arith.constant 0 : i32
    %sign3A_5 = vector.broadcast %sign3A : i32 to vector<16xi32>
    %sign3A_6 = arith.cmpi sgt, %iota3A, %sign3A_5 : vector<16xi32>
    %sign3A_7 = arith.extui %sign3A_6 : vector<16xi1> to vector<16xi32>
    %sign3A_8 = arith.constant 0 : i32
    %sign3A_9 = vector.broadcast %sign3A_8 : i32 to vector<16xi32>
    %sign3A_10 = arith.cmpi slt, %iota3A, %sign3A_9 : vector<16xi32>
    %sign3A_11 = arith.extui %sign3A_10 : vector<16xi1> to vector<16xi32>
    %sign3A_12 = arith.subi %sign3A_7, %sign3A_11 : vector<16xi32>
    %sign3A_13 = arith.constant 0 : i32
    %sign3A_14 = arith.cmpi sgt, %jit3A, %sign3A_13 : i32
    %sign3A_15 = arith.extui %sign3A_14 : i1 to i32
    %sign3A_16 = arith.constant 0 : i32
    %sign3A_17 = arith.cmpi slt, %jit3A, %sign3A_16 : i32
    %sign3A_18 = arith.extui %sign3A_17 : i1 to i32
    %sign3A_19 = arith.subi %sign3A_15, %sign3A_18 : i32
    %ne3A = vector.broadcast %sign3A_19 : i32 to vector<16xi32>
    %ne3A_20 = arith.cmpi ne, %sign3A_12, %ne3A : vector<16xi32>
    %rem3A = vector.broadcast %jit3A : i32 to vector<16xi32>
    %rem3A_21 = arith.remsi %iota3A, %rem3A : vector<16xi32>
    %ne3A_22 = arith.constant 0 : i32
    %ne3A_23 = vector.broadcast %ne3A_22 : i32 to vector<16xi32>
    %ne3A_24 = arith.cmpi ne, %rem3A_21, %ne3A_23 : vector<16xi32>
    %and3A = arith.andi %ne3A_20, %ne3A_24 : vector<16xi1>
    %sub3A = arith.constant 1 : i32
    %sub3A_25 = vector.broadcast %sub3A : i32 to vector<16xi32>
    %sub3A_26 = arith.subi %div3A_4, %sub3A_25 : vector<16xi32>
    %select_n3A = arith.select %and3A, %sub3A_26, %div3A_4 : vector<16xi1>, vector<16xi32>
    %add3A_27 = arith.constant 0 : i32
    %add3A_28 = vector.broadcast %add3A_27 : i32 to vector<16xi32>
    %add3A_29 = arith.addi %select_n3A, %add3A_28 : vector<16xi32>
    %iota3A_30 = tpu.iota {dimensions = array<i32: 0>} : vector<16xi32>
    %jit3A_31 = arith.constant 8 : i32
    %div3A_32 = vector.broadcast %jit3A_31 : i32 to vector<16xi32>
    %div3A_33 = arith.divsi %iota3A_30, %div3A_32 : vector<16xi32>
    %sign3A_34 = arith.constant 0 : i32
    %sign3A_35 = vector.broadcast %sign3A_34 : i32 to vector<16xi32>
    %sign3A_36 = arith.cmpi sgt, %iota3A_30, %sign3A_35 : vector<16xi32>
    %sign3A_37 = arith.extui %sign3A_36 : vector<16xi1> to vector<16xi32>
    %sign3A_38 = arith.constant 0 : i32
    %sign3A_39 = vector.broadcast %sign3A_38 : i32 to vector<16xi32>
    %sign3A_40 = arith.cmpi slt, %iota3A_30, %sign3A_39 : vector<16xi32>
    %sign3A_41 = arith.extui %sign3A_40 : vector<16xi1> to vector<16xi32>
    %sign3A_42 = arith.subi %sign3A_37, %sign3A_41 : vector<16xi32>
    %sign3A_43 = arith.constant 0 : i32
    %sign3A_44 = arith.cmpi sgt, %jit3A_31, %sign3A_43 : i32
    %sign3A_45 = arith.extui %sign3A_44 : i1 to i32
    %sign3A_46 = arith.constant 0 : i32
    %sign3A_47 = arith.cmpi slt, %jit3A_31, %sign3A_46 : i32
    %sign3A_48 = arith.extui %sign3A_47 : i1 to i32
    %sign3A_49 = arith.subi %sign3A_45, %sign3A_48 : i32
    %ne3A_50 = vector.broadcast %sign3A_49 : i32 to vector<16xi32>
    %ne3A_51 = arith.cmpi ne, %sign3A_42, %ne3A_50 : vector<16xi32>
    %rem3A_52 = vector.broadcast %jit3A_31 : i32 to vector<16xi32>
    %rem3A_53 = arith.remsi %iota3A_30, %rem3A_52 : vector<16xi32>
    %ne3A_54 = arith.constant 0 : i32
    %ne3A_55 = vector.broadcast %ne3A_54 : i32 to vector<16xi32>
    %ne3A_56 = arith.cmpi ne, %rem3A_53, %ne3A_55 : vector<16xi32>
    %and3A_57 = arith.andi %ne3A_51, %ne3A_56 : vector<16xi1>
    %sub3A_58 = arith.constant 1 : i32
    %sub3A_59 = vector.broadcast %sub3A_58 : i32 to vector<16xi32>
    %sub3A_60 = arith.subi %div3A_33, %sub3A_59 : vector<16xi32>
    %select_n3A_61 = arith.select %and3A_57, %sub3A_60, %div3A_33 : vector<16xi1>, vector<16xi32>
    %add3A_62 = arith.constant 2 : i32
    %add3A_63 = vector.broadcast %add3A_62 : i32 to vector<16xi32>
    %add3A_64 = arith.addi %select_n3A_61, %add3A_63 : vector<16xi32>
    %iota3A_65 = tpu.iota {dimensions = array<i32: 0>} : vector<16xi32>
    %jit3A_66 = arith.constant 8 : i32
    %eq3A = arith.constant 0 : i32
    %eq3A_67 = arith.cmpi eq, %jit3A_66, %eq3A : i32
    %jit3A_68 = arith.constant 1 : i32
    %select_n3A_69 = arith.select %eq3A_67, %jit3A_68, %jit3A_66 : i32
    %rem3A_70 = vector.broadcast %select_n3A_69 : i32 to vector<16xi32>
    %rem3A_71 = arith.remsi %iota3A_65, %rem3A_70 : vector<16xi32>
    %ne3A_72 = arith.constant 0 : i32
    %ne3A_73 = vector.broadcast %ne3A_72 : i32 to vector<16xi32>
    %ne3A_74 = arith.cmpi ne, %rem3A_71, %ne3A_73 : vector<16xi32>
    %lt3A = arith.constant 0 : i32
    %lt3A_75 = vector.broadcast %lt3A : i32 to vector<16xi32>
    %lt3A_76 = arith.cmpi slt, %rem3A_71, %lt3A_75 : vector<16xi32>
    %lt3A_77 = arith.constant 0 : i32
    %lt3A_78 = arith.cmpi slt, %select_n3A_69, %lt3A_77 : i32
    %ne3A_79 = vector.broadcast %lt3A_78 : i1 to vector<16xi1>
    %ne3A_80 = vector.broadcast %ne3A_79 : vector<16xi1> to vector<16xi1>
    %ne3A_81 = arith.xori %lt3A_76, %ne3A_80 : vector<16xi1>
    %and3A_82 = arith.andi %ne3A_81, %ne3A_74 : vector<16xi1>
    %add3A_83 = vector.broadcast %select_n3A_69 : i32 to vector<16xi32>
    %add3A_84 = arith.addi %rem3A_71, %add3A_83 : vector<16xi32>
    %select_n3A_85 = arith.select %and3A_82, %add3A_84, %rem3A_71 : vector<16xi1>, vector<16xi32>
    %iota3A_86 = tpu.iota {dimensions = array<i32: 0>} : vector<16xi32>
    %jit3A_87 = arith.constant 8 : i32
    %eq3A_88 = arith.constant 0 : i32
    %eq3A_89 = arith.cmpi eq, %jit3A_87, %eq3A_88 : i32
    %jit3A_90 = arith.constant 1 : i32
    %select_n3A_91 = arith.select %eq3A_89, %jit3A_90, %jit3A_87 : i32
    %rem3A_92 = vector.broadcast %select_n3A_91 : i32 to vector<16xi32>
    %rem3A_93 = arith.remsi %iota3A_86, %rem3A_92 : vector<16xi32>
    %ne3A_94 = arith.constant 0 : i32
    %ne3A_95 = vector.broadcast %ne3A_94 : i32 to vector<16xi32>
    %ne3A_96 = arith.cmpi ne, %rem3A_93, %ne3A_95 : vector<16xi32>
    %lt3A_97 = arith.constant 0 : i32
    %lt3A_98 = vector.broadcast %lt3A_97 : i32 to vector<16xi32>
    %lt3A_99 = arith.cmpi slt, %rem3A_93, %lt3A_98 : vector<16xi32>
    %lt3A_100 = arith.constant 0 : i32
    %lt3A_101 = arith.cmpi slt, %select_n3A_91, %lt3A_100 : i32
    %ne3A_102 = vector.broadcast %lt3A_101 : i1 to vector<16xi1>
    %ne3A_103 = vector.broadcast %ne3A_102 : vector<16xi1> to vector<16xi1>
    %ne3A_104 = arith.xori %lt3A_99, %ne3A_103 : vector<16xi1>
    %and3A_105 = arith.andi %ne3A_104, %ne3A_96 : vector<16xi1>
    %add3A_106 = vector.broadcast %select_n3A_91 : i32 to vector<16xi32>
    %add3A_107 = arith.addi %rem3A_93, %add3A_106 : vector<16xi32>
    %select_n3A_108 = arith.select %and3A_105, %add3A_107, %rem3A_93 : vector<16xi1>, vector<16xi32>
    %add3A_109 = arith.constant 0 : i32
    %add3A_110 = arith.addi %mul3A_2, %add3A_109 : i32
    "tpu.region"() ({
      %run_scoped3A = tpu.sem_alloc : memref<!tpu.dma_semaphore, #tpu.memory_space<semaphore_mem>>
      %dma_start3A_364 = tpu.memref_slice %arg2[%add3A_110] : memref<819200xi32, #tpu.memory_space<hbm>> -> memref<512xi32, #tpu.memory_space<hbm>>
      %dma_start3A_365 = tpu.memref_slice %arg2[%add3A_110] : memref<819200xi32, #tpu.memory_space<hbm>> -> memref<512xi32, #tpu.memory_space<hbm>>
      tpu.enqueue_dma source(%dma_start3A_365 : memref<512xi32, #tpu.memory_space<hbm>>) target(%arg5 : memref<512xi32, #tpu.memory_space<vmem>>) target_semaphore(%run_scoped3A : memref<!tpu.dma_semaphore, #tpu.memory_space<semaphore_mem>>)
      %dma_wait3A_366 = tpu.memref_slice %arg2[%add3A_110] : memref<819200xi32, #tpu.memory_space<hbm>> -> memref<512xi32, #tpu.memory_space<hbm>>
      %dma_wait3A_367 = tpu.memref_slice %arg2[%add3A_110] : memref<819200xi32, #tpu.memory_space<hbm>> -> memref<512xi32, #tpu.memory_space<hbm>>
      tpu.wait_dma2 semaphore(%run_scoped3A : memref<!tpu.dma_semaphore, #tpu.memory_space<semaphore_mem>>) src(%dma_wait3A_367 : memref<512xi32, #tpu.memory_space<hbm>>) dst(%arg5 : memref<512xi32, #tpu.memory_space<vmem>>)
      tpu.yield
    }) : () -> ()
    %dma_start3A = arith.constant 0 : i32
    %dma_start3A_111 = arith.constant 0 : i32
    %dma_start3A_112 = tpu.memref_slice %arg3[%dma_start3A, %dma_start3A_111] : memref<1000000x32xf32, #tpu.memory_space<hbm>> -> memref<1000000x32xf32, #tpu.memory_space<hbm>>
    tpu.enqueue_indirect_dma source(%dma_start3A_112 : memref<1000000x32xf32, #tpu.memory_space<hbm>>) target(%arg7 : memref<512x32xf32, #tpu.memory_space<vmem>>) offsets(%arg5 : memref<512xi32, #tpu.memory_space<vmem>>) semaphore(%arg11 : memref<!tpu.dma_semaphore, #tpu.memory_space<semaphore_mem>>)
    %add3A_113 = arith.constant 512 : i32
    %add3A_114 = arith.addi %mul3A_2, %add3A_113 : i32
    "tpu.region"() ({
      %run_scoped3A = tpu.sem_alloc : memref<!tpu.dma_semaphore, #tpu.memory_space<semaphore_mem>>
      %dma_start3A_364 = tpu.memref_slice %arg2[%add3A_114] : memref<819200xi32, #tpu.memory_space<hbm>> -> memref<512xi32, #tpu.memory_space<hbm>>
      %dma_start3A_365 = tpu.memref_slice %arg2[%add3A_114] : memref<819200xi32, #tpu.memory_space<hbm>> -> memref<512xi32, #tpu.memory_space<hbm>>
      tpu.enqueue_dma source(%dma_start3A_365 : memref<512xi32, #tpu.memory_space<hbm>>) target(%arg6 : memref<512xi32, #tpu.memory_space<vmem>>) target_semaphore(%run_scoped3A : memref<!tpu.dma_semaphore, #tpu.memory_space<semaphore_mem>>)
      %dma_wait3A_366 = tpu.memref_slice %arg2[%add3A_114] : memref<819200xi32, #tpu.memory_space<hbm>> -> memref<512xi32, #tpu.memory_space<hbm>>
      %dma_wait3A_367 = tpu.memref_slice %arg2[%add3A_114] : memref<819200xi32, #tpu.memory_space<hbm>> -> memref<512xi32, #tpu.memory_space<hbm>>
      tpu.wait_dma2 semaphore(%run_scoped3A : memref<!tpu.dma_semaphore, #tpu.memory_space<semaphore_mem>>) src(%dma_wait3A_367 : memref<512xi32, #tpu.memory_space<hbm>>) dst(%arg6 : memref<512xi32, #tpu.memory_space<vmem>>)
      tpu.yield
    }) : () -> ()
    %dma_start3A_115 = arith.constant 0 : i32
    %dma_start3A_116 = arith.constant 0 : i32
    %dma_start3A_117 = tpu.memref_slice %arg3[%dma_start3A_115, %dma_start3A_116] : memref<1000000x32xf32, #tpu.memory_space<hbm>> -> memref<1000000x32xf32, #tpu.memory_space<hbm>>
    tpu.enqueue_indirect_dma source(%dma_start3A_117 : memref<1000000x32xf32, #tpu.memory_space<hbm>>) target(%arg8 : memref<512x32xf32, #tpu.memory_space<vmem>>) offsets(%arg6 : memref<512xi32, #tpu.memory_space<vmem>>) semaphore(%arg12 : memref<!tpu.dma_semaphore, #tpu.memory_space<semaphore_mem>>)
    %dma_wait3A = arith.constant 0 : i32
    %dma_wait3A_118 = arith.constant 0 : i32
    %dma_wait3A_119 = tpu.memref_slice %arg3[%dma_wait3A, %dma_wait3A_118] : memref<1000000x32xf32, #tpu.memory_space<hbm>> -> memref<1000000x32xf32, #tpu.memory_space<hbm>>
    tpu.wait_indirect_dma semaphore(%arg11 : memref<!tpu.dma_semaphore, #tpu.memory_space<semaphore_mem>>) src(%dma_wait3A_119 : memref<1000000x32xf32, #tpu.memory_space<hbm>>) dst(%arg7 : memref<512x32xf32, #tpu.memory_space<vmem>>)
    %scan3A = arith.constant 0 : i32
    %scan3A_120 = arith.constant 0 : i32
    %scan3A_121 = arith.constant 128 : i32
    %scan3A_122 = arith.addi %scan3A_120, %scan3A_121 : i32
    %scan3A_123 = arith.constant 1 : i32
    %scan3A_124 = scf.for %scan3A_364 = %scan3A_120 to %scan3A_122 step %scan3A_123 iter_args(%scan3A_365 = %scan3A) -> (i32)  : i32 {
      %mul3A_366 = arith.constant 4 : i32
      %mul3A_367 = arith.muli %mul3A_366, %scan3A_364 : i32
      %jit3A_368 = arith.constant 128 : i32
      %div3A_369 = arith.divsi %mul3A_367, %jit3A_368 : i32
      %sign3A_370 = arith.constant 0 : i32
      %sign3A_371 = arith.cmpi sgt, %mul3A_367, %sign3A_370 : i32
      %sign3A_372 = arith.extui %sign3A_371 : i1 to i32
      %sign3A_373 = arith.constant 0 : i32
      %sign3A_374 = arith.cmpi slt, %mul3A_367, %sign3A_373 : i32
      %sign3A_375 = arith.extui %sign3A_374 : i1 to i32
      %sign3A_376 = arith.subi %sign3A_372, %sign3A_375 : i32
      %sign3A_377 = arith.constant 0 : i32
      %sign3A_378 = arith.cmpi sgt, %jit3A_368, %sign3A_377 : i32
      %sign3A_379 = arith.extui %sign3A_378 : i1 to i32
      %sign3A_380 = arith.constant 0 : i32
      %sign3A_381 = arith.cmpi slt, %jit3A_368, %sign3A_380 : i32
      %sign3A_382 = arith.extui %sign3A_381 : i1 to i32
      %sign3A_383 = arith.subi %sign3A_379, %sign3A_382 : i32
      %ne3A_384 = arith.cmpi ne, %sign3A_376, %sign3A_383 : i32
      %rem3A_385 = arith.remsi %mul3A_367, %jit3A_368 : i32
      %ne3A_386 = arith.constant 0 : i32
      %ne3A_387 = arith.cmpi ne, %rem3A_385, %ne3A_386 : i32
      %and3A_388 = arith.andi %ne3A_384, %ne3A_387 : i1
      %sub3A_389 = arith.constant 1 : i32
      %sub3A_390 = arith.subi %div3A_369, %sub3A_389 : i32
      %select_n3A_391 = arith.select %and3A_388, %sub3A_390, %div3A_369 : i32
      %add3A_392 = vector.broadcast %select_n3A_391 : i32 to vector<16xi32>
      %add3A_393 = arith.addi %broadcast_in_dim3A_3, %add3A_392 : vector<16xi32>
      %add3A_394 = arith.constant 0 : i32
      %add3A_395 = arith.addi %mul3A_367, %add3A_394 : i32
      %jit3A_396 = arith.constant 128 : i32
      %eq3A_397 = arith.constant 0 : i32
      %eq3A_398 = arith.cmpi eq, %jit3A_396, %eq3A_397 : i32
      %jit3A_399 = arith.constant 1 : i32
      %select_n3A_400 = arith.select %eq3A_398, %jit3A_399, %jit3A_396 : i32
      %rem3A_401 = arith.remsi %add3A_395, %select_n3A_400 : i32
      %ne3A_402 = arith.constant 0 : i32
      %ne3A_403 = arith.cmpi ne, %rem3A_401, %ne3A_402 : i32
      %lt3A_404 = arith.constant 0 : i32
      %lt3A_405 = arith.cmpi slt, %rem3A_401, %lt3A_404 : i32
      %lt3A_406 = arith.constant 0 : i32
      %lt3A_407 = arith.cmpi slt, %select_n3A_400, %lt3A_406 : i32
      %ne3A_408 = arith.xori %lt3A_405, %lt3A_407 : i1
      %and3A_409 = arith.andi %ne3A_408, %ne3A_403 : i1
      %add3A_410 = arith.addi %rem3A_401, %select_n3A_400 : i32
      %select_n3A_411 = arith.select %and3A_409, %add3A_410, %rem3A_401 : i32
      %add3A_412 = vector.broadcast %select_n3A_411 : i32 to vector<16xi32>
      %add3A_413 = arith.addi %broadcast_in_dim3A_3, %add3A_412 : vector<16xi32>
      %get3A = arith.index_cast %add3A_395 : i32 to index
      %get3A_414 = arith.constant 0 : index
      %get3A_415 = tpu.vector_load %arg7[%get3A, %get3A_414] {strides = array<i32>} : memref<512x32xf32, #tpu.memory_space<vmem>>, vector<16xf32>,
      tpu.vector_store_idx %arg9[%add3A_29, %add3A_393, %select_n3A_85, %add3A_413], %get3A_415 : memref<4x4x8x131xf32, #tpu.memory_space<vmem>>[vector<16xi32>, vector<16xi32>, vector<16xi32>, vector<16xi32>], vector<16xf32>,
      %get3A_416 = arith.index_cast %add3A_395 : i32 to index
      %get3A_417 = arith.constant 16 : index
      %get3A_418 = tpu.vector_load %arg7[%get3A_416, %get3A_417] {strides = array<i32>} : memref<512x32xf32, #tpu.memory_space<vmem>>, vector<16xf32>,
      tpu.vector_store_idx %arg9[%add3A_64, %add3A_393, %select_n3A_108, %add3A_413], %get3A_418 : memref<4x4x8x131xf32, #tpu.memory_space<vmem>>[vector<16xi32>, vector<16xi32>, vector<16xi32>, vector<16xi32>], vector<16xf32>,
      %add3A_419 = arith.constant 1 : i32
      %add3A_420 = arith.addi %mul3A_367, %add3A_419 : i32
      %jit3A_421 = arith.constant 128 : i32
      %eq3A_422 = arith.constant 0 : i32
      %eq3A_423 = arith.cmpi eq, %jit3A_421, %eq3A_422 : i32
      %jit3A_424 = arith.constant 1 : i32
      %select_n3A_425 = arith.select %eq3A_423, %jit3A_424, %jit3A_421 : i32
      %rem3A_426 = arith.remsi %add3A_420, %select_n3A_425 : i32
      %ne3A_427 = arith.constant 0 : i32
      %ne3A_428 = arith.cmpi ne, %rem3A_426, %ne3A_427 : i32
      %lt3A_429 = arith.constant 0 : i32
      %lt3A_430 = arith.cmpi slt, %rem3A_426, %lt3A_429 : i32
      %lt3A_431 = arith.constant 0 : i32
      %lt3A_432 = arith.cmpi slt, %select_n3A_425, %lt3A_431 : i32
      %ne3A_433 = arith.xori %lt3A_430, %lt3A_432 : i1
      %and3A_434 = arith.andi %ne3A_433, %ne3A_428 : i1
      %add3A_435 = arith.addi %rem3A_426, %select_n3A_425 : i32
      %select_n3A_436 = arith.select %and3A_434, %add3A_435, %rem3A_426 : i32
      %add3A_437 = vector.broadcast %select_n3A_436 : i32 to vector<16xi32>
      %add3A_438 = arith.addi %broadcast_in_dim3A_3, %add3A_437 : vector<16xi32>
      %get3A_439 = arith.index_cast %add3A_420 : i32 to index
      %get3A_440 = arith.constant 0 : index
      %get3A_441 = tpu.vector_load %arg7[%get3A_439, %get3A_440] {strides = array<i32>} : memref<512x32xf32, #tpu.memory_space<vmem>>, vector<16xf32>,
      tpu.vector_store_idx %arg9[%add3A_29, %add3A_393, %select_n3A_85, %add3A_438], %get3A_441 : memref<4x4x8x131xf32, #tpu.memory_space<vmem>>[vector<16xi32>, vector<16xi32>, vector<16xi32>, vector<16xi32>], vector<16xf32>,
      %get3A_442 = arith.index_cast %add3A_420 : i32 to index
      %get3A_443 = arith.constant 16 : index
      %get3A_444 = tpu.vector_load %arg7[%get3A_442, %get3A_443] {strides = array<i32>} : memref<512x32xf32, #tpu.memory_space<vmem>>, vector<16xf32>,
      tpu.vector_store_idx %arg9[%add3A_64, %add3A_393, %select_n3A_108, %add3A_438], %get3A_444 : memref<4x4x8x131xf32, #tpu.memory_space<vmem>>[vector<16xi32>, vector<16xi32>, vector<16xi32>, vector<16xi32>], vector<16xf32>,
      %add3A_445 = arith.constant 2 : i32
      %add3A_446 = arith.addi %mul3A_367, %add3A_445 : i32
      %jit3A_447 = arith.constant 128 : i32
      %eq3A_448 = arith.constant 0 : i32
      %eq3A_449 = arith.cmpi eq, %jit3A_447, %eq3A_448 : i32
      %jit3A_450 = arith.constant 1 : i32
      %select_n3A_451 = arith.select %eq3A_449, %jit3A_450, %jit3A_447 : i32
      %rem3A_452 = arith.remsi %add3A_446, %select_n3A_451 : i32
      %ne3A_453 = arith.constant 0 : i32
      %ne3A_454 = arith.cmpi ne, %rem3A_452, %ne3A_453 : i32
      %lt3A_455 = arith.constant 0 : i32
      %lt3A_456 = arith.cmpi slt, %rem3A_452, %lt3A_455 : i32
      %lt3A_457 = arith.constant 0 : i32
      %lt3A_458 = arith.cmpi slt, %select_n3A_451, %lt3A_457 : i32
      %ne3A_459 = arith.xori %lt3A_456, %lt3A_458 : i1
      %and3A_460 = arith.andi %ne3A_459, %ne3A_454 : i1
      %add3A_461 = arith.addi %rem3A_452, %select_n3A_451 : i32
      %select_n3A_462 = arith.select %and3A_460, %add3A_461, %rem3A_452 : i32
      %add3A_463 = vector.broadcast %select_n3A_462 : i32 to vector<16xi32>
      %add3A_464 = arith.addi %broadcast_in_dim3A_3, %add3A_463 : vector<16xi32>
      %get3A_465 = arith.index_cast %add3A_446 : i32 to index
      %get3A_466 = arith.constant 0 : index
      %get3A_467 = tpu.vector_load %arg7[%get3A_465, %get3A_466] {strides = array<i32>} : memref<512x32xf32, #tpu.memory_space<vmem>>, vector<16xf32>,
      tpu.vector_store_idx %arg9[%add3A_29, %add3A_393, %select_n3A_85, %add3A_464], %get3A_467 : memref<4x4x8x131xf32, #tpu.memory_space<vmem>>[vector<16xi32>, vector<16xi32>, vector<16xi32>, vector<16xi32>], vector<16xf32>,
      %get3A_468 = arith.index_cast %add3A_446 : i32 to index
      %get3A_469 = arith.constant 16 : index
      %get3A_470 = tpu.vector_load %arg7[%get3A_468, %get3A_469] {strides = array<i32>} : memref<512x32xf32, #tpu.memory_space<vmem>>, vector<16xf32>,
      tpu.vector_store_idx %arg9[%add3A_64, %add3A_393, %select_n3A_108, %add3A_464], %get3A_470 : memref<4x4x8x131xf32, #tpu.memory_space<vmem>>[vector<16xi32>, vector<16xi32>, vector<16xi32>, vector<16xi32>], vector<16xf32>,
      %add3A_471 = arith.constant 3 : i32
      %add3A_472 = arith.addi %mul3A_367, %add3A_471 : i32
      %jit3A_473 = arith.constant 128 : i32
      %eq3A_474 = arith.constant 0 : i32
      %eq3A_475 = arith.cmpi eq, %jit3A_473, %eq3A_474 : i32
      %jit3A_476 = arith.constant 1 : i32
      %select_n3A_477 = arith.select %eq3A_475, %jit3A_476, %jit3A_473 : i32
      %rem3A_478 = arith.remsi %add3A_472, %select_n3A_477 : i32
      %ne3A_479 = arith.constant 0 : i32
      %ne3A_480 = arith.cmpi ne, %rem3A_478, %ne3A_479 : i32
      %lt3A_481 = arith.constant 0 : i32
      %lt3A_482 = arith.cmpi slt, %rem3A_478, %lt3A_481 : i32
      %lt3A_483 = arith.constant 0 : i32
      %lt3A_484 = arith.cmpi slt, %select_n3A_477, %lt3A_483 : i32
      %ne3A_485 = arith.xori %lt3A_482, %lt3A_484 : i1
      %and3A_486 = arith.andi %ne3A_485, %ne3A_480 : i1
      %add3A_487 = arith.addi %rem3A_478, %select_n3A_477 : i32
      %select_n3A_488 = arith.select %and3A_486, %add3A_487, %rem3A_478 : i32
      %add3A_489 = vector.broadcast %select_n3A_488 : i32 to vector<16xi32>
      %add3A_490 = arith.addi %broadcast_in_dim3A_3, %add3A_489 : vector<16xi32>
      %get3A_491 = arith.index_cast %add3A_472 : i32 to index
      %get3A_492 = arith.constant 0 : index
      %get3A_493 = tpu.vector_load %arg7[%get3A_491, %get3A_492] {strides = array<i32>} : memref<512x32xf32, #tpu.memory_space<vmem>>, vector<16xf32>,
      tpu.vector_store_idx %arg9[%add3A_29, %add3A_393, %select_n3A_85, %add3A_490], %get3A_493 : memref<4x4x8x131xf32, #tpu.memory_space<vmem>>[vector<16xi32>, vector<16xi32>, vector<16xi32>, vector<16xi32>], vector<16xf32>,
      %get3A_494 = arith.index_cast %add3A_472 : i32 to index
      %get3A_495 = arith.constant 16 : index
      %get3A_496 = tpu.vector_load %arg7[%get3A_494, %get3A_495] {strides = array<i32>} : memref<512x32xf32, #tpu.memory_space<vmem>>, vector<16xf32>,
      tpu.vector_store_idx %arg9[%add3A_64, %add3A_393, %select_n3A_108, %add3A_490], %get3A_496 : memref<4x4x8x131xf32, #tpu.memory_space<vmem>>[vector<16xi32>, vector<16xi32>, vector<16xi32>, vector<16xi32>], vector<16xf32>,
      %scan3A_497 = arith.constant 0 : i32
      scf.yield %scan3A_497 : i32
    }
    %scan3A_125 = arith.constant 128 : i32
    %add3A_126 = arith.constant 0 : i32
    %add3A_127 = arith.addi %mul3A_2, %add3A_126 : i32
    %jit3A_128 = arith.constant 4096 : i32
    %div3A_129 = arith.divsi %add3A_127, %jit3A_128 : i32
    %sign3A_130 = arith.constant 0 : i32
    %sign3A_131 = arith.cmpi sgt, %add3A_127, %sign3A_130 : i32
    %sign3A_132 = arith.extui %sign3A_131 : i1 to i32
    %sign3A_133 = arith.constant 0 : i32
    %sign3A_134 = arith.cmpi slt, %add3A_127, %sign3A_133 : i32
    %sign3A_135 = arith.extui %sign3A_134 : i1 to i32
    %sign3A_136 = arith.subi %sign3A_132, %sign3A_135 : i32
    %sign3A_137 = arith.constant 0 : i32
    %sign3A_138 = arith.cmpi sgt, %jit3A_128, %sign3A_137 : i32
    %sign3A_139 = arith.extui %sign3A_138 : i1 to i32
    %sign3A_140 = arith.constant 0 : i32
    %sign3A_141 = arith.cmpi slt, %jit3A_128, %sign3A_140 : i32
    %sign3A_142 = arith.extui %sign3A_141 : i1 to i32
    %sign3A_143 = arith.subi %sign3A_139, %sign3A_142 : i32
    %ne3A_144 = arith.cmpi ne, %sign3A_136, %sign3A_143 : i32
    %rem3A_145 = arith.remsi %add3A_127, %jit3A_128 : i32
    %ne3A_146 = arith.constant 0 : i32
    %ne3A_147 = arith.cmpi ne, %rem3A_145, %ne3A_146 : i32
    %and3A_148 = arith.andi %ne3A_144, %ne3A_147 : i1
    %sub3A_149 = arith.constant 1 : i32
    %sub3A_150 = arith.subi %div3A_129, %sub3A_149 : i32
    %select_n3A_151 = arith.select %and3A_148, %sub3A_150, %div3A_129 : i32
    %jit3A_152 = arith.constant 4096 : i32
    %eq3A_153 = arith.constant 0 : i32
    %eq3A_154 = arith.cmpi eq, %jit3A_152, %eq3A_153 : i32
    %jit3A_155 = arith.constant 1 : i32
    %select_n3A_156 = arith.select %eq3A_154, %jit3A_155, %jit3A_152 : i32
    %rem3A_157 = arith.remsi %add3A_127, %select_n3A_156 : i32
    %ne3A_158 = arith.constant 0 : i32
    %ne3A_159 = arith.cmpi ne, %rem3A_157, %ne3A_158 : i32
    %lt3A_160 = arith.constant 0 : i32
    %lt3A_161 = arith.cmpi slt, %rem3A_157, %lt3A_160 : i32
    %lt3A_162 = arith.constant 0 : i32
    %lt3A_163 = arith.cmpi slt, %select_n3A_156, %lt3A_162 : i32
    %ne3A_164 = arith.xori %lt3A_161, %lt3A_163 : i1
    %and3A_165 = arith.andi %ne3A_164, %ne3A_159 : i1
    %add3A_166 = arith.addi %rem3A_157, %select_n3A_156 : i32
    %select_n3A_167 = arith.select %and3A_165, %add3A_166, %rem3A_157 : i32
    %jit3A_168 = arith.constant 128 : i32
    %div3A_169 = arith.divsi %select_n3A_167, %jit3A_168 : i32
    %sign3A_170 = arith.constant 0 : i32
    %sign3A_171 = arith.cmpi sgt, %select_n3A_167, %sign3A_170 : i32
    %sign3A_172 = arith.extui %sign3A_171 : i1 to i32
    %sign3A_173 = arith.constant 0 : i32
    %sign3A_174 = arith.cmpi slt, %select_n3A_167, %sign3A_173 : i32
    %sign3A_175 = arith.extui %sign3A_174 : i1 to i32
    %sign3A_176 = arith.subi %sign3A_172, %sign3A_175 : i32
    %sign3A_177 = arith.constant 0 : i32
    %sign3A_178 = arith.cmpi sgt, %jit3A_168, %sign3A_177 : i32
    %sign3A_179 = arith.extui %sign3A_178 : i1 to i32
    %sign3A_180 = arith.constant 0 : i32
    %sign3A_181 = arith.cmpi slt, %jit3A_168, %sign3A_180 : i32
    %sign3A_182 = arith.extui %sign3A_181 : i1 to i32
    %sign3A_183 = arith.subi %sign3A_179, %sign3A_182 : i32
    %ne3A_184 = arith.cmpi ne, %sign3A_176, %sign3A_183 : i32
    %rem3A_185 = arith.remsi %select_n3A_167, %jit3A_168 : i32
    %ne3A_186 = arith.constant 0 : i32
    %ne3A_187 = arith.cmpi ne, %rem3A_185, %ne3A_186 : i32
    %and3A_188 = arith.andi %ne3A_184, %ne3A_187 : i1
    %sub3A_189 = arith.constant 1 : i32
    %sub3A_190 = arith.subi %div3A_169, %sub3A_189 : i32
    %select_n3A_191 = arith.select %and3A_188, %sub3A_190, %div3A_169 : i32
    %dma_start3A_192 = arith.constant 0 : i32
    %dma_start3A_193 = arith.constant 0 : i32
    %dma_start3A_194 = arith.constant 0 : i32
    %dma_start3A_195 = arith.constant 0 : i32
    %dma_start3A_196 = tpu.memref_slice %arg9[%dma_start3A_192, %dma_start3A_193, %dma_start3A_194, %dma_start3A_195] : memref<4x4x8x131xf32, #tpu.memory_space<vmem>> -> memref<4x4x8x128xf32, #tpu.memory_space<vmem>>
    %dma_start3A_197 = arith.constant 0 : i32
    %dma_start3A_198 = arith.constant 0 : i32
    %dma_start3A_199 = arith.constant 0 : i32
    %dma_start3A_200 = tpu.memref_slice %arg4[%select_n3A_151, %dma_start3A_197, %select_n3A_191, %dma_start3A_198, %dma_start3A_199] : memref<200x4x32x8x128xf32, #tpu.memory_space<hbm>> -> memref<1x4x4x8x128xf32, #tpu.memory_space<hbm>>
    %dma_start3A_201 = tpu.memref_squeeze %dma_start3A_200 : memref<1x4x4x8x128xf32, #tpu.memory_space<hbm>> -> memref<4x4x8x128xf32, #tpu.memory_space<hbm>>
    %dma_start3A_202 = arith.constant 0 : i32
    %dma_start3A_203 = arith.constant 0 : i32
    %dma_start3A_204 = arith.constant 0 : i32
    %dma_start3A_205 = tpu.memref_slice %arg4[%select_n3A_151, %dma_start3A_202, %select_n3A_191, %dma_start3A_203, %dma_start3A_204] : memref<200x4x32x8x128xf32, #tpu.memory_space<hbm>> -> memref<1x4x4x8x128xf32, #tpu.memory_space<hbm>>
    %dma_start3A_206 = tpu.memref_squeeze %dma_start3A_205 : memref<1x4x4x8x128xf32, #tpu.memory_space<hbm>> -> memref<4x4x8x128xf32, #tpu.memory_space<hbm>>
    %dma_start3A_207 = arith.constant 0 : i32
    %dma_start3A_208 = arith.constant 0 : i32
    %dma_start3A_209 = arith.constant 0 : i32
    %dma_start3A_210 = arith.constant 0 : i32
    %dma_start3A_211 = tpu.memref_slice %arg9[%dma_start3A_207, %dma_start3A_208, %dma_start3A_209, %dma_start3A_210] : memref<4x4x8x131xf32, #tpu.memory_space<vmem>> -> memref<4x4x8x128xf32, #tpu.memory_space<vmem>>
    tpu.enqueue_dma source(%dma_start3A_211 : memref<4x4x8x128xf32, #tpu.memory_space<vmem>>) target(%dma_start3A_206 : memref<4x4x8x128xf32, #tpu.memory_space<hbm>>) target_semaphore(%arg13 : memref<!tpu.dma_semaphore, #tpu.memory_space<semaphore_mem>>)
    %add3A_212 = arith.constant 1024 : i32
    %add3A_213 = arith.addi %mul3A_2, %add3A_212 : i32
    "tpu.region"() ({
      %run_scoped3A = tpu.sem_alloc : memref<!tpu.dma_semaphore, #tpu.memory_space<semaphore_mem>>
      %dma_start3A_364 = tpu.memref_slice %arg2[%add3A_213] : memref<819200xi32, #tpu.memory_space<hbm>> -> memref<512xi32, #tpu.memory_space<hbm>>
      %dma_start3A_365 = tpu.memref_slice %arg2[%add3A_213] : memref<819200xi32, #tpu.memory_space<hbm>> -> memref<512xi32, #tpu.memory_space<hbm>>
      tpu.enqueue_dma source(%dma_start3A_365 : memref<512xi32, #tpu.memory_space<hbm>>) target(%arg5 : memref<512xi32, #tpu.memory_space<vmem>>) target_semaphore(%run_scoped3A : memref<!tpu.dma_semaphore, #tpu.memory_space<semaphore_mem>>)
      %dma_wait3A_366 = tpu.memref_slice %arg2[%add3A_213] : memref<819200xi32, #tpu.memory_space<hbm>> -> memref<512xi32, #tpu.memory_space<hbm>>
      %dma_wait3A_367 = tpu.memref_slice %arg2[%add3A_213] : memref<819200xi32, #tpu.memory_space<hbm>> -> memref<512xi32, #tpu.memory_space<hbm>>
      tpu.wait_dma2 semaphore(%run_scoped3A : memref<!tpu.dma_semaphore, #tpu.memory_space<semaphore_mem>>) src(%dma_wait3A_367 : memref<512xi32, #tpu.memory_space<hbm>>) dst(%arg5 : memref<512xi32, #tpu.memory_space<vmem>>)
      tpu.yield
    }) : () -> ()
    %dma_start3A_214 = arith.constant 0 : i32
    %dma_start3A_215 = arith.constant 0 : i32
    %dma_start3A_216 = tpu.memref_slice %arg3[%dma_start3A_214, %dma_start3A_215] : memref<1000000x32xf32, #tpu.memory_space<hbm>> -> memref<1000000x32xf32, #tpu.memory_space<hbm>>
    tpu.enqueue_indirect_dma source(%dma_start3A_216 : memref<1000000x32xf32, #tpu.memory_space<hbm>>) target(%arg7 : memref<512x32xf32, #tpu.memory_space<vmem>>) offsets(%arg5 : memref<512xi32, #tpu.memory_space<vmem>>) semaphore(%arg11 : memref<!tpu.dma_semaphore, #tpu.memory_space<semaphore_mem>>)
    %dma_wait3A_217 = arith.constant 0 : i32
    %dma_wait3A_218 = arith.constant 0 : i32
    %dma_wait3A_219 = tpu.memref_slice %arg3[%dma_wait3A_217, %dma_wait3A_218] : memref<1000000x32xf32, #tpu.memory_space<hbm>> -> memref<1000000x32xf32, #tpu.memory_space<hbm>>
    tpu.wait_indirect_dma semaphore(%arg12 : memref<!tpu.dma_semaphore, #tpu.memory_space<semaphore_mem>>) src(%dma_wait3A_219 : memref<1000000x32xf32, #tpu.memory_space<hbm>>) dst(%arg8 : memref<512x32xf32, #tpu.memory_space<vmem>>)
    %scan3A_220 = arith.constant 0 : i32
    %scan3A_221 = arith.constant 0 : i32
    %scan3A_222 = arith.constant 128 : i32
    %scan3A_223 = arith.addi %scan3A_221, %scan3A_222 : i32
    %scan3A_224 = arith.constant 1 : i32
    %scan3A_225 = scf.for %scan3A_364 = %scan3A_221 to %scan3A_223 step %scan3A_224 iter_args(%scan3A_365 = %scan3A_220) -> (i32)  : i32 {
      %mul3A_366 = arith.constant 4 : i32
      %mul3A_367 = arith.muli %mul3A_366, %scan3A_364 : i32
      %jit3A_368 = arith.constant 128 : i32
      %div3A_369 = arith.divsi %mul3A_367, %jit3A_368 : i32
      %sign3A_370 = arith.constant 0 : i32
      %sign3A_371 = arith.cmpi sgt, %mul3A_367, %sign3A_370 : i32
      %sign3A_372 = arith.extui %sign3A_371 : i1 to i32
      %sign3A_373 = arith.constant 0 : i32
      %sign3A_374 = arith.cmpi slt, %mul3A_367, %sign3A_373 : i32
      %sign3A_375 = arith.extui %sign3A_374 : i1 to i32
      %sign3A_376 = arith.subi %sign3A_372, %sign3A_375 : i32
      %sign3A_377 = arith.constant 0 : i32
      %sign3A_378 = arith.cmpi sgt, %jit3A_368, %sign3A_377 : i32
      %sign3A_379 = arith.extui %sign3A_378 : i1 to i32
      %sign3A_380 = arith.constant 0 : i32
      %sign3A_381 = arith.cmpi slt, %jit3A_368, %sign3A_380 : i32
      %sign3A_382 = arith.extui %sign3A_381 : i1 to i32
      %sign3A_383 = arith.subi %sign3A_379, %sign3A_382 : i32
      %ne3A_384 = arith.cmpi ne, %sign3A_376, %sign3A_383 : i32
      %rem3A_385 = arith.remsi %mul3A_367, %jit3A_368 : i32
      %ne3A_386 = arith.constant 0 : i32
      %ne3A_387 = arith.cmpi ne, %rem3A_385, %ne3A_386 : i32
      %and3A_388 = arith.andi %ne3A_384, %ne3A_387 : i1
      %sub3A_389 = arith.constant 1 : i32
      %sub3A_390 = arith.subi %div3A_369, %sub3A_389 : i32
      %select_n3A_391 = arith.select %and3A_388, %sub3A_390, %div3A_369 : i32
      %add3A_392 = vector.broadcast %select_n3A_391 : i32 to vector<16xi32>
      %add3A_393 = arith.addi %broadcast_in_dim3A_3, %add3A_392 : vector<16xi32>
      %add3A_394 = arith.constant 0 : i32
      %add3A_395 = arith.addi %mul3A_367, %add3A_394 : i32
      %jit3A_396 = arith.constant 128 : i32
      %eq3A_397 = arith.constant 0 : i32
      %eq3A_398 = arith.cmpi eq, %jit3A_396, %eq3A_397 : i32
      %jit3A_399 = arith.constant 1 : i32
      %select_n3A_400 = arith.select %eq3A_398, %jit3A_399, %jit3A_396 : i32
      %rem3A_401 = arith.remsi %add3A_395, %select_n3A_400 : i32
      %ne3A_402 = arith.constant 0 : i32
      %ne3A_403 = arith.cmpi ne, %rem3A_401, %ne3A_402 : i32
      %lt3A_404 = arith.constant 0 : i32
      %lt3A_405 = arith.cmpi slt, %rem3A_401, %lt3A_404 : i32
      %lt3A_406 = arith.constant 0 : i32
      %lt3A_407 = arith.cmpi slt, %select_n3A_400, %lt3A_406 : i32
      %ne3A_408 = arith.xori %lt3A_405, %lt3A_407 : i1
      %and3A_409 = arith.andi %ne3A_408, %ne3A_403 : i1
      %add3A_410 = arith.addi %rem3A_401, %select_n3A_400 : i32
      %select_n3A_411 = arith.select %and3A_409, %add3A_410, %rem3A_401 : i32
      %add3A_412 = vector.broadcast %select_n3A_411 : i32 to vector<16xi32>
      %add3A_413 = arith.addi %broadcast_in_dim3A_3, %add3A_412 : vector<16xi32>
      %get3A = arith.index_cast %add3A_395 : i32 to index
      %get3A_414 = arith.constant 0 : index
      %get3A_415 = tpu.vector_load %arg8[%get3A, %get3A_414] {strides = array<i32>} : memref<512x32xf32, #tpu.memory_space<vmem>>, vector<16xf32>,
      tpu.vector_store_idx %arg10[%add3A_29, %add3A_393, %select_n3A_85, %add3A_413], %get3A_415 : memref<4x4x8x131xf32, #tpu.memory_space<vmem>>[vector<16xi32>, vector<16xi32>, vector<16xi32>, vector<16xi32>], vector<16xf32>,
      %get3A_416 = arith.index_cast %add3A_395 : i32 to index
      %get3A_417 = arith.constant 16 : index
      %get3A_418 = tpu.vector_load %arg8[%get3A_416, %get3A_417] {strides = array<i32>} : memref<512x32xf32, #tpu.memory_space<vmem>>, vector<16xf32>,
      tpu.vector_store_idx %arg10[%add3A_64, %add3A_393, %select_n3A_108, %add3A_413], %get3A_418 : memref<4x4x8x131xf32, #tpu.memory_space<vmem>>[vector<16xi32>, vector<16xi32>, vector<16xi32>, vector<16xi32>], vector<16xf32>,
      %add3A_419 = arith.constant 1 : i32
      %add3A_420 = arith.addi %mul3A_367, %add3A_419 : i32
      %jit3A_421 = arith.constant 128 : i32
      %eq3A_422 = arith.constant 0 : i32
      %eq3A_423 = arith.cmpi eq, %jit3A_421, %eq3A_422 : i32
      %jit3A_424 = arith.constant 1 : i32
      %select_n3A_425 = arith.select %eq3A_423, %jit3A_424, %jit3A_421 : i32
      %rem3A_426 = arith.remsi %add3A_420, %select_n3A_425 : i32
      %ne3A_427 = arith.constant 0 : i32
      %ne3A_428 = arith.cmpi ne, %rem3A_426, %ne3A_427 : i32
      %lt3A_429 = arith.constant 0 : i32
      %lt3A_430 = arith.cmpi slt, %rem3A_426, %lt3A_429 : i32
      %lt3A_431 = arith.constant 0 : i32
      %lt3A_432 = arith.cmpi slt, %select_n3A_425, %lt3A_431 : i32
      %ne3A_433 = arith.xori %lt3A_430, %lt3A_432 : i1
      %and3A_434 = arith.andi %ne3A_433, %ne3A_428 : i1
      %add3A_435 = arith.addi %rem3A_426, %select_n3A_425 : i32
      %select_n3A_436 = arith.select %and3A_434, %add3A_435, %rem3A_426 : i32
      %add3A_437 = vector.broadcast %select_n3A_436 : i32 to vector<16xi32>
      %add3A_438 = arith.addi %broadcast_in_dim3A_3, %add3A_437 : vector<16xi32>
      %get3A_439 = arith.index_cast %add3A_420 : i32 to index
      %get3A_440 = arith.constant 0 : index
      %get3A_441 = tpu.vector_load %arg8[%get3A_439, %get3A_440] {strides = array<i32>} : memref<512x32xf32, #tpu.memory_space<vmem>>, vector<16xf32>,
      tpu.vector_store_idx %arg10[%add3A_29, %add3A_393, %select_n3A_85, %add3A_438], %get3A_441 : memref<4x4x8x131xf32, #tpu.memory_space<vmem>>[vector<16xi32>, vector<16xi32>, vector<16xi32>, vector<16xi32>], vector<16xf32>,
      %get3A_442 = arith.index_cast %add3A_420 : i32 to index
      %get3A_443 = arith.constant 16 : index
      %get3A_444 = tpu.vector_load %arg8[%get3A_442, %get3A_443] {strides = array<i32>} : memref<512x32xf32, #tpu.memory_space<vmem>>, vector<16xf32>,
      tpu.vector_store_idx %arg10[%add3A_64, %add3A_393, %select_n3A_108, %add3A_438], %get3A_444 : memref<4x4x8x131xf32, #tpu.memory_space<vmem>>[vector<16xi32>, vector<16xi32>, vector<16xi32>, vector<16xi32>], vector<16xf32>,
      %add3A_445 = arith.constant 2 : i32
      %add3A_446 = arith.addi %mul3A_367, %add3A_445 : i32
      %jit3A_447 = arith.constant 128 : i32
      %eq3A_448 = arith.constant 0 : i32
      %eq3A_449 = arith.cmpi eq, %jit3A_447, %eq3A_448 : i32
      %jit3A_450 = arith.constant 1 : i32
      %select_n3A_451 = arith.select %eq3A_449, %jit3A_450, %jit3A_447 : i32
      %rem3A_452 = arith.remsi %add3A_446, %select_n3A_451 : i32
      %ne3A_453 = arith.constant 0 : i32
      %ne3A_454 = arith.cmpi ne, %rem3A_452, %ne3A_453 : i32
      %lt3A_455 = arith.constant 0 : i32
      %lt3A_456 = arith.cmpi slt, %rem3A_452, %lt3A_455 : i32
      %lt3A_457 = arith.constant 0 : i32
      %lt3A_458 = arith.cmpi slt, %select_n3A_451, %lt3A_457 : i32
      %ne3A_459 = arith.xori %lt3A_456, %lt3A_458 : i1
      %and3A_460 = arith.andi %ne3A_459, %ne3A_454 : i1
      %add3A_461 = arith.addi %rem3A_452, %select_n3A_451 : i32
      %select_n3A_462 = arith.select %and3A_460, %add3A_461, %rem3A_452 : i32
      %add3A_463 = vector.broadcast %select_n3A_462 : i32 to vector<16xi32>
      %add3A_464 = arith.addi %broadcast_in_dim3A_3, %add3A_463 : vector<16xi32>
      %get3A_465 = arith.index_cast %add3A_446 : i32 to index
      %get3A_466 = arith.constant 0 : index
      %get3A_467 = tpu.vector_load %arg8[%get3A_465, %get3A_466] {strides = array<i32>} : memref<512x32xf32, #tpu.memory_space<vmem>>, vector<16xf32>,
      tpu.vector_store_idx %arg10[%add3A_29, %add3A_393, %select_n3A_85, %add3A_464], %get3A_467 : memref<4x4x8x131xf32, #tpu.memory_space<vmem>>[vector<16xi32>, vector<16xi32>, vector<16xi32>, vector<16xi32>], vector<16xf32>,
      %get3A_468 = arith.index_cast %add3A_446 : i32 to index
      %get3A_469 = arith.constant 16 : index
      %get3A_470 = tpu.vector_load %arg8[%get3A_468, %get3A_469] {strides = array<i32>} : memref<512x32xf32, #tpu.memory_space<vmem>>, vector<16xf32>,
      tpu.vector_store_idx %arg10[%add3A_64, %add3A_393, %select_n3A_108, %add3A_464], %get3A_470 : memref<4x4x8x131xf32, #tpu.memory_space<vmem>>[vector<16xi32>, vector<16xi32>, vector<16xi32>, vector<16xi32>], vector<16xf32>,
      %add3A_471 = arith.constant 3 : i32
      %add3A_472 = arith.addi %mul3A_367, %add3A_471 : i32
      %jit3A_473 = arith.constant 128 : i32
      %eq3A_474 = arith.constant 0 : i32
      %eq3A_475 = arith.cmpi eq, %jit3A_473, %eq3A_474 : i32
      %jit3A_476 = arith.constant 1 : i32
      %select_n3A_477 = arith.select %eq3A_475, %jit3A_476, %jit3A_473 : i32
      %rem3A_478 = arith.remsi %add3A_472, %select_n3A_477 : i32
      %ne3A_479 = arith.constant 0 : i32
      %ne3A_480 = arith.cmpi ne, %rem3A_478, %ne3A_479 : i32
      %lt3A_481 = arith.constant 0 : i32
      %lt3A_482 = arith.cmpi slt, %rem3A_478, %lt3A_481 : i32
      %lt3A_483 = arith.constant 0 : i32
      %lt3A_484 = arith.cmpi slt, %select_n3A_477, %lt3A_483 : i32
      %ne3A_485 = arith.xori %lt3A_482, %lt3A_484 : i1
      %and3A_486 = arith.andi %ne3A_485, %ne3A_480 : i1
      %add3A_487 = arith.addi %rem3A_478, %select_n3A_477 : i32
      %select_n3A_488 = arith.select %and3A_486, %add3A_487, %rem3A_478 : i32
      %add3A_489 = vector.broadcast %select_n3A_488 : i32 to vector<16xi32>
      %add3A_490 = arith.addi %broadcast_in_dim3A_3, %add3A_489 : vector<16xi32>
      %get3A_491 = arith.index_cast %add3A_472 : i32 to index
      %get3A_492 = arith.constant 0 : index
      %get3A_493 = tpu.vector_load %arg8[%get3A_491, %get3A_492] {strides = array<i32>} : memref<512x32xf32, #tpu.memory_space<vmem>>, vector<16xf32>,
      tpu.vector_store_idx %arg10[%add3A_29, %add3A_393, %select_n3A_85, %add3A_490], %get3A_493 : memref<4x4x8x131xf32, #tpu.memory_space<vmem>>[vector<16xi32>, vector<16xi32>, vector<16xi32>, vector<16xi32>], vector<16xf32>,
      %get3A_494 = arith.index_cast %add3A_472 : i32 to index
      %get3A_495 = arith.constant 16 : index
      %get3A_496 = tpu.vector_load %arg8[%get3A_494, %get3A_495] {strides = array<i32>} : memref<512x32xf32, #tpu.memory_space<vmem>>, vector<16xf32>,
      tpu.vector_store_idx %arg10[%add3A_64, %add3A_393, %select_n3A_108, %add3A_490], %get3A_496 : memref<4x4x8x131xf32, #tpu.memory_space<vmem>>[vector<16xi32>, vector<16xi32>, vector<16xi32>, vector<16xi32>], vector<16xf32>,
      %scan3A_497 = arith.constant 0 : i32
      scf.yield %scan3A_497 : i32
    }
    %scan3A_226 = arith.constant 128 : i32
    %add3A_227 = arith.constant 512 : i32
    %add3A_228 = arith.addi %mul3A_2, %add3A_227 : i32
    %jit3A_229 = arith.constant 4096 : i32
    %div3A_230 = arith.divsi %add3A_228, %jit3A_229 : i32
    %sign3A_231 = arith.constant 0 : i32
    %sign3A_232 = arith.cmpi sgt, %add3A_228, %sign3A_231 : i32
    %sign3A_233 = arith.extui %sign3A_232 : i1 to i32
    %sign3A_234 = arith.constant 0 : i32
    %sign3A_235 = arith.cmpi slt, %add3A_228, %sign3A_234 : i32
    %sign3A_236 = arith.extui %sign3A_235 : i1 to i32
    %sign3A_237 = arith.subi %sign3A_233, %sign3A_236 : i32
    %sign3A_238 = arith.constant 0 : i32
    %sign3A_239 = arith.cmpi sgt, %jit3A_229, %sign3A_238 : i32
    %sign3A_240 = arith.extui %sign3A_239 : i1 to i32
    %sign3A_241 = arith.constant 0 : i32
    %sign3A_242 = arith.cmpi slt, %jit3A_229, %sign3A_241 : i32
    %sign3A_243 = arith.extui %sign3A_242 : i1 to i32
    %sign3A_244 = arith.subi %sign3A_240, %sign3A_243 : i32
    %ne3A_245 = arith.cmpi ne, %sign3A_237, %sign3A_244 : i32
    %rem3A_246 = arith.remsi %add3A_228, %jit3A_229 : i32
    %ne3A_247 = arith.constant 0 : i32
    %ne3A_248 = arith.cmpi ne, %rem3A_246, %ne3A_247 : i32
    %and3A_249 = arith.andi %ne3A_245, %ne3A_248 : i1
    %sub3A_250 = arith.constant 1 : i32
    %sub3A_251 = arith.subi %div3A_230, %sub3A_250 : i32
    %select_n3A_252 = arith.select %and3A_249, %sub3A_251, %div3A_230 : i32
    %jit3A_253 = arith.constant 4096 : i32
    %eq3A_254 = arith.constant 0 : i32
    %eq3A_255 = arith.cmpi eq, %jit3A_253, %eq3A_254 : i32
    %jit3A_256 = arith.constant 1 : i32
    %select_n3A_257 = arith.select %eq3A_255, %jit3A_256, %jit3A_253 : i32
    %rem3A_258 = arith.remsi %add3A_228, %select_n3A_257 : i32
    %ne3A_259 = arith.constant 0 : i32
    %ne3A_260 = arith.cmpi ne, %rem3A_258, %ne3A_259 : i32
    %lt3A_261 = arith.constant 0 : i32
    %lt3A_262 = arith.cmpi slt, %rem3A_258, %lt3A_261 : i32
    %lt3A_263 = arith.constant 0 : i32
    %lt3A_264 = arith.cmpi slt, %select_n3A_257, %lt3A_263 : i32
    %ne3A_265 = arith.xori %lt3A_262, %lt3A_264 : i1
    %and3A_266 = arith.andi %ne3A_265, %ne3A_260 : i1
    %add3A_267 = arith.addi %rem3A_258, %select_n3A_257 : i32
    %select_n3A_268 = arith.select %and3A_266, %add3A_267, %rem3A_258 : i32
    %jit3A_269 = arith.constant 128 : i32
    %div3A_270 = arith.divsi %select_n3A_268, %jit3A_269 : i32
    %sign3A_271 = arith.constant 0 : i32
    %sign3A_272 = arith.cmpi sgt, %select_n3A_268, %sign3A_271 : i32
    %sign3A_273 = arith.extui %sign3A_272 : i1 to i32
    %sign3A_274 = arith.constant 0 : i32
    %sign3A_275 = arith.cmpi slt, %select_n3A_268, %sign3A_274 : i32
    %sign3A_276 = arith.extui %sign3A_275 : i1 to i32
    %sign3A_277 = arith.subi %sign3A_273, %sign3A_276 : i32
    %sign3A_278 = arith.constant 0 : i32
    %sign3A_279 = arith.cmpi sgt, %jit3A_269, %sign3A_278 : i32
    %sign3A_280 = arith.extui %sign3A_279 : i1 to i32
    %sign3A_281 = arith.constant 0 : i32
    %sign3A_282 = arith.cmpi slt, %jit3A_269, %sign3A_281 : i32
    %sign3A_283 = arith.extui %sign3A_282 : i1 to i32
    %sign3A_284 = arith.subi %sign3A_280, %sign3A_283 : i32
    %ne3A_285 = arith.cmpi ne, %sign3A_277, %sign3A_284 : i32
    %rem3A_286 = arith.remsi %select_n3A_268, %jit3A_269 : i32
    %ne3A_287 = arith.constant 0 : i32
    %ne3A_288 = arith.cmpi ne, %rem3A_286, %ne3A_287 : i32
    %and3A_289 = arith.andi %ne3A_285, %ne3A_288 : i1
    %sub3A_290 = arith.constant 1 : i32
    %sub3A_291 = arith.subi %div3A_270, %sub3A_290 : i32
    %select_n3A_292 = arith.select %and3A_289, %sub3A_291, %div3A_270 : i32
    %dma_start3A_293 = arith.constant 0 : i32
    %dma_start3A_294 = arith.constant 0 : i32
    %dma_start3A_295 = arith.constant 0 : i32
    %dma_start3A_296 = arith.constant 0 : i32
    %dma_start3A_297 = tpu.memref_slice %arg10[%dma_start3A_293, %dma_start3A_294, %dma_start3A_295, %dma_start3A_296] : memref<4x4x8x131xf32, #tpu.memory_space<vmem>> -> memref<4x4x8x128xf32, #tpu.memory_space<vmem>>
    %dma_start3A_298 = arith.constant 0 : i32
    %dma_start3A_299 = arith.constant 0 : i32
    %dma_start3A_300 = arith.constant 0 : i32
    %dma_start3A_301 = tpu.memref_slice %arg4[%select_n3A_252, %dma_start3A_298, %select_n3A_292, %dma_start3A_299, %dma_start3A_300] : memref<200x4x32x8x128xf32, #tpu.memory_space<hbm>> -> memref<1x4x4x8x128xf32, #tpu.memory_space<hbm>>
    %dma_start3A_302 = tpu.memref_squeeze %dma_start3A_301 : memref<1x4x4x8x128xf32, #tpu.memory_space<hbm>> -> memref<4x4x8x128xf32, #tpu.memory_space<hbm>>
    %dma_start3A_303 = arith.constant 0 : i32
    %dma_start3A_304 = arith.constant 0 : i32
    %dma_start3A_305 = arith.constant 0 : i32
    %dma_start3A_306 = tpu.memref_slice %arg4[%select_n3A_252, %dma_start3A_303, %select_n3A_292, %dma_start3A_304, %dma_start3A_305] : memref<200x4x32x8x128xf32, #tpu.memory_space<hbm>> -> memref<1x4x4x8x128xf32, #tpu.memory_space<hbm>>
    %dma_start3A_307 = tpu.memref_squeeze %dma_start3A_306 : memref<1x4x4x8x128xf32, #tpu.memory_space<hbm>> -> memref<4x4x8x128xf32, #tpu.memory_space<hbm>>
    %dma_start3A_308 = arith.constant 0 : i32
    %dma_start3A_309 = arith.constant 0 : i32
    %dma_start3A_310 = arith.constant 0 : i32
    %dma_start3A_311 = arith.constant 0 : i32
    %dma_start3A_312 = tpu.memref_slice %arg10[%dma_start3A_308, %dma_start3A_309, %dma_start3A_310, %dma_start3A_311] : memref<4x4x8x131xf32, #tpu.memory_space<vmem>> -> memref<4x4x8x128xf32, #tpu.memory_space<vmem>>
    tpu.enqueue_dma source(%dma_start3A_312 : memref<4x4x8x128xf32, #tpu.memory_space<vmem>>) target(%dma_start3A_307 : memref<4x4x8x128xf32, #tpu.memory_space<hbm>>) target_semaphore(%arg14 : memref<!tpu.dma_semaphore, #tpu.memory_space<semaphore_mem>>)
    %scan3A_313 = arith.constant 0 : i32
    %scan3A_314 = arith.constant 24 : i32
    %scan3A_315 = arith.addi %scan3A_313, %scan3A_314 : i32
    %scan3A_316 = arith.constant 1 : i32
    scf.for %scan3A_364 = %scan3A_313 to %scan3A_315 step %scan3A_316  : i32 {
      %mul3A_365 = arith.constant 1 : i32
      %mul3A_366 = arith.muli %scan3A_364, %mul3A_365 : i32
      %add3A_367 = arith.constant 1 : i32
      %add3A_368 = arith.addi %add3A_367, %mul3A_366 : i32
      %mul3A_369 = arith.constant 2 : i32
      %mul3A_370 = arith.muli %mul3A_369, %add3A_368 : i32
      %add3A_371 = arith.constant 1 : i32
      %add3A_372 = arith.addi %mul3A_370, %add3A_371 : i32
      %mul3A_373 = arith.constant 512 : i32
      %mul3A_374 = arith.muli %add3A_372, %mul3A_373 : i32
      %add3A_375 = arith.addi %mul3A_2, %mul3A_374 : i32
      "tpu.region"() ({
        %run_scoped3A = tpu.sem_alloc : memref<!tpu.dma_semaphore, #tpu.memory_space<semaphore_mem>>
        %dma_start3A_626 = tpu.memref_slice %arg2[%add3A_375] : memref<819200xi32, #tpu.memory_space<hbm>> -> memref<512xi32, #tpu.memory_space<hbm>>
        %dma_start3A_627 = tpu.memref_slice %arg2[%add3A_375] : memref<819200xi32, #tpu.memory_space<hbm>> -> memref<512xi32, #tpu.memory_space<hbm>>
        tpu.enqueue_dma source(%dma_start3A_627 : memref<512xi32, #tpu.memory_space<hbm>>) target(%arg6 : memref<512xi32, #tpu.memory_space<vmem>>) target_semaphore(%run_scoped3A : memref<!tpu.dma_semaphore, #tpu.memory_space<semaphore_mem>>)
        %dma_wait3A_628 = tpu.memref_slice %arg2[%add3A_375] : memref<819200xi32, #tpu.memory_space<hbm>> -> memref<512xi32, #tpu.memory_space<hbm>>
        %dma_wait3A_629 = tpu.memref_slice %arg2[%add3A_375] : memref<819200xi32, #tpu.memory_space<hbm>> -> memref<512xi32, #tpu.memory_space<hbm>>
        tpu.wait_dma2 semaphore(%run_scoped3A : memref<!tpu.dma_semaphore, #tpu.memory_space<semaphore_mem>>) src(%dma_wait3A_629 : memref<512xi32, #tpu.memory_space<hbm>>) dst(%arg6 : memref<512xi32, #tpu.memory_space<vmem>>)
        tpu.yield
      }) : () -> ()
      %dma_start3A_376 = arith.constant 0 : i32
      %dma_start3A_377 = arith.constant 0 : i32
      %dma_start3A_378 = tpu.memref_slice %arg3[%dma_start3A_376, %dma_start3A_377] : memref<1000000x32xf32, #tpu.memory_space<hbm>> -> memref<1000000x32xf32, #tpu.memory_space<hbm>>
      tpu.enqueue_indirect_dma source(%dma_start3A_378 : memref<1000000x32xf32, #tpu.memory_space<hbm>>) target(%arg8 : memref<512x32xf32, #tpu.memory_space<vmem>>) offsets(%arg6 : memref<512xi32, #tpu.memory_space<vmem>>) semaphore(%arg12 : memref<!tpu.dma_semaphore, #tpu.memory_space<semaphore_mem>>)
      %dma_wait3A_379 = arith.constant 0 : i32
      %dma_wait3A_380 = arith.constant 0 : i32
      %dma_wait3A_381 = tpu.memref_slice %arg3[%dma_wait3A_379, %dma_wait3A_380] : memref<1000000x32xf32, #tpu.memory_space<hbm>> -> memref<1000000x32xf32, #tpu.memory_space<hbm>>
      tpu.wait_indirect_dma semaphore(%arg11 : memref<!tpu.dma_semaphore, #tpu.memory_space<semaphore_mem>>) src(%dma_wait3A_381 : memref<1000000x32xf32, #tpu.memory_space<hbm>>) dst(%arg7 : memref<512x32xf32, #tpu.memory_space<vmem>>)
      %dma_wait3A_382 = arith.constant 0 : i32
      %dma_wait3A_383 = arith.constant 0 : i32
      %dma_wait3A_384 = arith.constant 0 : i32
      %dma_wait3A_385 = arith.constant 0 : i32
      %dma_wait3A_386 = arith.constant 0 : i32
      %dma_wait3A_387 = tpu.memref_slice %arg9[%dma_wait3A_383, %dma_wait3A_384, %dma_wait3A_385, %dma_wait3A_386] : memref<4x4x8x131xf32, #tpu.memory_space<vmem>> -> memref<4x4x8x128xf32, #tpu.memory_space<vmem>>
      %dma_wait3A_388 = arith.constant 0 : i32
      %dma_wait3A_389 = arith.constant 0 : i32
      %dma_wait3A_390 = arith.constant 0 : i32
      %dma_wait3A_391 = arith.constant 0 : i32
      %dma_wait3A_392 = tpu.memref_slice %arg4[%dma_wait3A_382, %dma_wait3A_388, %dma_wait3A_389, %dma_wait3A_390, %dma_wait3A_391] : memref<200x4x32x8x128xf32, #tpu.memory_space<hbm>> -> memref<1x4x4x8x128xf32, #tpu.memory_space<hbm>>
      %dma_wait3A_393 = tpu.memref_squeeze %dma_wait3A_392 : memref<1x4x4x8x128xf32, #tpu.memory_space<hbm>> -> memref<4x4x8x128xf32, #tpu.memory_space<hbm>>
      %dma_wait3A_394 = arith.constant 0 : i32
      %dma_wait3A_395 = arith.constant 0 : i32
      %dma_wait3A_396 = arith.constant 0 : i32
      %dma_wait3A_397 = arith.constant 0 : i32
      %dma_wait3A_398 = tpu.memref_slice %arg4[%dma_wait3A_382, %dma_wait3A_394, %dma_wait3A_395, %dma_wait3A_396, %dma_wait3A_397] : memref<200x4x32x8x128xf32, #tpu.memory_space<hbm>> -> memref<1x4x4x8x128xf32, #tpu.memory_space<hbm>>
      %dma_wait3A_399 = tpu.memref_squeeze %dma_wait3A_398 : memref<1x4x4x8x128xf32, #tpu.memory_space<hbm>> -> memref<4x4x8x128xf32, #tpu.memory_space<hbm>>
      %dma_wait3A_400 = arith.constant 0 : i32
      %dma_wait3A_401 = arith.constant 0 : i32
      %dma_wait3A_402 = arith.constant 0 : i32
      %dma_wait3A_403 = arith.constant 0 : i32
      %dma_wait3A_404 = tpu.memref_slice %arg9[%dma_wait3A_400, %dma_wait3A_401, %dma_wait3A_402, %dma_wait3A_403] : memref<4x4x8x131xf32, #tpu.memory_space<vmem>> -> memref<4x4x8x128xf32, #tpu.memory_space<vmem>>
      tpu.wait_dma2 semaphore(%arg13 : memref<!tpu.dma_semaphore, #tpu.memory_space<semaphore_mem>>) src(%dma_wait3A_404 : memref<4x4x8x128xf32, #tpu.memory_space<vmem>>) dst(%dma_wait3A_399 : memref<4x4x8x128xf32, #tpu.memory_space<hbm>>)
      %scan3A_405 = arith.constant 0 : i32
      %scan3A_406 = arith.constant 0 : i32
      %scan3A_407 = arith.constant 128 : i32
      %scan3A_408 = arith.addi %scan3A_406, %scan3A_407 : i32
      %scan3A_409 = arith.constant 1 : i32
      %scan3A_410 = scf.for %scan3A_626 = %scan3A_406 to %scan3A_408 step %scan3A_409 iter_args(%scan3A_627 = %scan3A_405) -> (i32)  : i32 {
        %mul3A_628 = arith.constant 4 : i32
        %mul3A_629 = arith.muli %mul3A_628, %scan3A_626 : i32
        %jit3A_630 = arith.constant 128 : i32
        %div3A_631 = arith.divsi %mul3A_629, %jit3A_630 : i32
        %sign3A_632 = arith.constant 0 : i32
        %sign3A_633 = arith.cmpi sgt, %mul3A_629, %sign3A_632 : i32
        %sign3A_634 = arith.extui %sign3A_633 : i1 to i32
        %sign3A_635 = arith.constant 0 : i32
        %sign3A_636 = arith.cmpi slt, %mul3A_629, %sign3A_635 : i32
        %sign3A_637 = arith.extui %sign3A_636 : i1 to i32
        %sign3A_638 = arith.subi %sign3A_634, %sign3A_637 : i32
        %sign3A_639 = arith.constant 0 : i32
        %sign3A_640 = arith.cmpi sgt, %jit3A_630, %sign3A_639 : i32
        %sign3A_641 = arith.extui %sign3A_640 : i1 to i32
        %sign3A_642 = arith.constant 0 : i32
        %sign3A_643 = arith.cmpi slt, %jit3A_630, %sign3A_642 : i32
        %sign3A_644 = arith.extui %sign3A_643 : i1 to i32
        %sign3A_645 = arith.subi %sign3A_641, %sign3A_644 : i32
        %ne3A_646 = arith.cmpi ne, %sign3A_638, %sign3A_645 : i32
        %rem3A_647 = arith.remsi %mul3A_629, %jit3A_630 : i32
        %ne3A_648 = arith.constant 0 : i32
        %ne3A_649 = arith.cmpi ne, %rem3A_647, %ne3A_648 : i32
        %and3A_650 = arith.andi %ne3A_646, %ne3A_649 : i1
        %sub3A_651 = arith.constant 1 : i32
        %sub3A_652 = arith.subi %div3A_631, %sub3A_651 : i32
        %select_n3A_653 = arith.select %and3A_650, %sub3A_652, %div3A_631 : i32
        %add3A_654 = vector.broadcast %select_n3A_653 : i32 to vector<16xi32>
        %add3A_655 = arith.addi %broadcast_in_dim3A_3, %add3A_654 : vector<16xi32>
        %add3A_656 = arith.constant 0 : i32
        %add3A_657 = arith.addi %mul3A_629, %add3A_656 : i32
        %jit3A_658 = arith.constant 128 : i32
        %eq3A_659 = arith.constant 0 : i32
        %eq3A_660 = arith.cmpi eq, %jit3A_658, %eq3A_659 : i32
        %jit3A_661 = arith.constant 1 : i32
        %select_n3A_662 = arith.select %eq3A_660, %jit3A_661, %jit3A_658 : i32
        %rem3A_663 = arith.remsi %add3A_657, %select_n3A_662 : i32
        %ne3A_664 = arith.constant 0 : i32
        %ne3A_665 = arith.cmpi ne, %rem3A_663, %ne3A_664 : i32
        %lt3A_666 = arith.constant 0 : i32
        %lt3A_667 = arith.cmpi slt, %rem3A_663, %lt3A_666 : i32
        %lt3A_668 = arith.constant 0 : i32
        %lt3A_669 = arith.cmpi slt, %select_n3A_662, %lt3A_668 : i32
        %ne3A_670 = arith.xori %lt3A_667, %lt3A_669 : i1
        %and3A_671 = arith.andi %ne3A_670, %ne3A_665 : i1
        %add3A_672 = arith.addi %rem3A_663, %select_n3A_662 : i32
        %select_n3A_673 = arith.select %and3A_671, %add3A_672, %rem3A_663 : i32
        %add3A_674 = vector.broadcast %select_n3A_673 : i32 to vector<16xi32>
        %add3A_675 = arith.addi %broadcast_in_dim3A_3, %add3A_674 : vector<16xi32>
        %get3A = arith.index_cast %add3A_657 : i32 to index
        %get3A_676 = arith.constant 0 : index
        %get3A_677 = tpu.vector_load %arg7[%get3A, %get3A_676] {strides = array<i32>} : memref<512x32xf32, #tpu.memory_space<vmem>>, vector<16xf32>,
        tpu.vector_store_idx %arg9[%add3A_29, %add3A_655, %select_n3A_85, %add3A_675], %get3A_677 : memref<4x4x8x131xf32, #tpu.memory_space<vmem>>[vector<16xi32>, vector<16xi32>, vector<16xi32>, vector<16xi32>], vector<16xf32>,
        %get3A_678 = arith.index_cast %add3A_657 : i32 to index
        %get3A_679 = arith.constant 16 : index
        %get3A_680 = tpu.vector_load %arg7[%get3A_678, %get3A_679] {strides = array<i32>} : memref<512x32xf32, #tpu.memory_space<vmem>>, vector<16xf32>,
        tpu.vector_store_idx %arg9[%add3A_64, %add3A_655, %select_n3A_108, %add3A_675], %get3A_680 : memref<4x4x8x131xf32, #tpu.memory_space<vmem>>[vector<16xi32>, vector<16xi32>, vector<16xi32>, vector<16xi32>], vector<16xf32>,
        %add3A_681 = arith.constant 1 : i32
        %add3A_682 = arith.addi %mul3A_629, %add3A_681 : i32
        %jit3A_683 = arith.constant 128 : i32
        %eq3A_684 = arith.constant 0 : i32
        %eq3A_685 = arith.cmpi eq, %jit3A_683, %eq3A_684 : i32
        %jit3A_686 = arith.constant 1 : i32
        %select_n3A_687 = arith.select %eq3A_685, %jit3A_686, %jit3A_683 : i32
        %rem3A_688 = arith.remsi %add3A_682, %select_n3A_687 : i32
        %ne3A_689 = arith.constant 0 : i32
        %ne3A_690 = arith.cmpi ne, %rem3A_688, %ne3A_689 : i32
        %lt3A_691 = arith.constant 0 : i32
        %lt3A_692 = arith.cmpi slt, %rem3A_688, %lt3A_691 : i32
        %lt3A_693 = arith.constant 0 : i32
        %lt3A_694 = arith.cmpi slt, %select_n3A_687, %lt3A_693 : i32
        %ne3A_695 = arith.xori %lt3A_692, %lt3A_694 : i1
        %and3A_696 = arith.andi %ne3A_695, %ne3A_690 : i1
        %add3A_697 = arith.addi %rem3A_688, %select_n3A_687 : i32
        %select_n3A_698 = arith.select %and3A_696, %add3A_697, %rem3A_688 : i32
        %add3A_699 = vector.broadcast %select_n3A_698 : i32 to vector<16xi32>
        %add3A_700 = arith.addi %broadcast_in_dim3A_3, %add3A_699 : vector<16xi32>
        %get3A_701 = arith.index_cast %add3A_682 : i32 to index
        %get3A_702 = arith.constant 0 : index
        %get3A_703 = tpu.vector_load %arg7[%get3A_701, %get3A_702] {strides = array<i32>} : memref<512x32xf32, #tpu.memory_space<vmem>>, vector<16xf32>,
        tpu.vector_store_idx %arg9[%add3A_29, %add3A_655, %select_n3A_85, %add3A_700], %get3A_703 : memref<4x4x8x131xf32, #tpu.memory_space<vmem>>[vector<16xi32>, vector<16xi32>, vector<16xi32>, vector<16xi32>], vector<16xf32>,
        %get3A_704 = arith.index_cast %add3A_682 : i32 to index
        %get3A_705 = arith.constant 16 : index
        %get3A_706 = tpu.vector_load %arg7[%get3A_704, %get3A_705] {strides = array<i32>} : memref<512x32xf32, #tpu.memory_space<vmem>>, vector<16xf32>,
        tpu.vector_store_idx %arg9[%add3A_64, %add3A_655, %select_n3A_108, %add3A_700], %get3A_706 : memref<4x4x8x131xf32, #tpu.memory_space<vmem>>[vector<16xi32>, vector<16xi32>, vector<16xi32>, vector<16xi32>], vector<16xf32>,
        %add3A_707 = arith.constant 2 : i32
        %add3A_708 = arith.addi %mul3A_629, %add3A_707 : i32
        %jit3A_709 = arith.constant 128 : i32
        %eq3A_710 = arith.constant 0 : i32
        %eq3A_711 = arith.cmpi eq, %jit3A_709, %eq3A_710 : i32
        %jit3A_712 = arith.constant 1 : i32
        %select_n3A_713 = arith.select %eq3A_711, %jit3A_712, %jit3A_709 : i32
        %rem3A_714 = arith.remsi %add3A_708, %select_n3A_713 : i32
        %ne3A_715 = arith.constant 0 : i32
        %ne3A_716 = arith.cmpi ne, %rem3A_714, %ne3A_715 : i32
        %lt3A_717 = arith.constant 0 : i32
        %lt3A_718 = arith.cmpi slt, %rem3A_714, %lt3A_717 : i32
        %lt3A_719 = arith.constant 0 : i32
        %lt3A_720 = arith.cmpi slt, %select_n3A_713, %lt3A_719 : i32
        %ne3A_721 = arith.xori %lt3A_718, %lt3A_720 : i1
        %and3A_722 = arith.andi %ne3A_721, %ne3A_716 : i1
        %add3A_723 = arith.addi %rem3A_714, %select_n3A_713 : i32
        %select_n3A_724 = arith.select %and3A_722, %add3A_723, %rem3A_714 : i32
        %add3A_725 = vector.broadcast %select_n3A_724 : i32 to vector<16xi32>
        %add3A_726 = arith.addi %broadcast_in_dim3A_3, %add3A_725 : vector<16xi32>
        %get3A_727 = arith.index_cast %add3A_708 : i32 to index
        %get3A_728 = arith.constant 0 : index
        %get3A_729 = tpu.vector_load %arg7[%get3A_727, %get3A_728] {strides = array<i32>} : memref<512x32xf32, #tpu.memory_space<vmem>>, vector<16xf32>,
        tpu.vector_store_idx %arg9[%add3A_29, %add3A_655, %select_n3A_85, %add3A_726], %get3A_729 : memref<4x4x8x131xf32, #tpu.memory_space<vmem>>[vector<16xi32>, vector<16xi32>, vector<16xi32>, vector<16xi32>], vector<16xf32>,
        %get3A_730 = arith.index_cast %add3A_708 : i32 to index
        %get3A_731 = arith.constant 16 : index
        %get3A_732 = tpu.vector_load %arg7[%get3A_730, %get3A_731] {strides = array<i32>} : memref<512x32xf32, #tpu.memory_space<vmem>>, vector<16xf32>,
        tpu.vector_store_idx %arg9[%add3A_64, %add3A_655, %select_n3A_108, %add3A_726], %get3A_732 : memref<4x4x8x131xf32, #tpu.memory_space<vmem>>[vector<16xi32>, vector<16xi32>, vector<16xi32>, vector<16xi32>], vector<16xf32>,
        %add3A_733 = arith.constant 3 : i32
        %add3A_734 = arith.addi %mul3A_629, %add3A_733 : i32
        %jit3A_735 = arith.constant 128 : i32
        %eq3A_736 = arith.constant 0 : i32
        %eq3A_737 = arith.cmpi eq, %jit3A_735, %eq3A_736 : i32
        %jit3A_738 = arith.constant 1 : i32
        %select_n3A_739 = arith.select %eq3A_737, %jit3A_738, %jit3A_735 : i32
        %rem3A_740 = arith.remsi %add3A_734, %select_n3A_739 : i32
        %ne3A_741 = arith.constant 0 : i32
        %ne3A_742 = arith.cmpi ne, %rem3A_740, %ne3A_741 : i32
        %lt3A_743 = arith.constant 0 : i32
        %lt3A_744 = arith.cmpi slt, %rem3A_740, %lt3A_743 : i32
        %lt3A_745 = arith.constant 0 : i32
        %lt3A_746 = arith.cmpi slt, %select_n3A_739, %lt3A_745 : i32
        %ne3A_747 = arith.xori %lt3A_744, %lt3A_746 : i1
        %and3A_748 = arith.andi %ne3A_747, %ne3A_742 : i1
        %add3A_749 = arith.addi %rem3A_740, %select_n3A_739 : i32
        %select_n3A_750 = arith.select %and3A_748, %add3A_749, %rem3A_740 : i32
        %add3A_751 = vector.broadcast %select_n3A_750 : i32 to vector<16xi32>
        %add3A_752 = arith.addi %broadcast_in_dim3A_3, %add3A_751 : vector<16xi32>
        %get3A_753 = arith.index_cast %add3A_734 : i32 to index
        %get3A_754 = arith.constant 0 : index
        %get3A_755 = tpu.vector_load %arg7[%get3A_753, %get3A_754] {strides = array<i32>} : memref<512x32xf32, #tpu.memory_space<vmem>>, vector<16xf32>,
        tpu.vector_store_idx %arg9[%add3A_29, %add3A_655, %select_n3A_85, %add3A_752], %get3A_755 : memref<4x4x8x131xf32, #tpu.memory_space<vmem>>[vector<16xi32>, vector<16xi32>, vector<16xi32>, vector<16xi32>], vector<16xf32>,
        %get3A_756 = arith.index_cast %add3A_734 : i32 to index
        %get3A_757 = arith.constant 16 : index
        %get3A_758 = tpu.vector_load %arg7[%get3A_756, %get3A_757] {strides = array<i32>} : memref<512x32xf32, #tpu.memory_space<vmem>>, vector<16xf32>,
        tpu.vector_store_idx %arg9[%add3A_64, %add3A_655, %select_n3A_108, %add3A_752], %get3A_758 : memref<4x4x8x131xf32, #tpu.memory_space<vmem>>[vector<16xi32>, vector<16xi32>, vector<16xi32>, vector<16xi32>], vector<16xf32>,
        %scan3A_759 = arith.constant 0 : i32
        scf.yield %scan3A_759 : i32
      }
      %scan3A_411 = arith.constant 128 : i32
      %mul3A_412 = arith.constant 512 : i32
      %mul3A_413 = arith.muli %mul3A_370, %mul3A_412 : i32
      %add3A_414 = arith.addi %mul3A_2, %mul3A_413 : i32
      %jit3A_415 = arith.constant 4096 : i32
      %div3A_416 = arith.divsi %add3A_414, %jit3A_415 : i32
      %sign3A_417 = arith.constant 0 : i32
      %sign3A_418 = arith.cmpi sgt, %add3A_414, %sign3A_417 : i32
      %sign3A_419 = arith.extui %sign3A_418 : i1 to i32
      %sign3A_420 = arith.constant 0 : i32
      %sign3A_421 = arith.cmpi slt, %add3A_414, %sign3A_420 : i32
      %sign3A_422 = arith.extui %sign3A_421 : i1 to i32
      %sign3A_423 = arith.subi %sign3A_419, %sign3A_422 : i32
      %sign3A_424 = arith.constant 0 : i32
      %sign3A_425 = arith.cmpi sgt, %jit3A_415, %sign3A_424 : i32
      %sign3A_426 = arith.extui %sign3A_425 : i1 to i32
      %sign3A_427 = arith.constant 0 : i32
      %sign3A_428 = arith.cmpi slt, %jit3A_415, %sign3A_427 : i32
      %sign3A_429 = arith.extui %sign3A_428 : i1 to i32
      %sign3A_430 = arith.subi %sign3A_426, %sign3A_429 : i32
      %ne3A_431 = arith.cmpi ne, %sign3A_423, %sign3A_430 : i32
      %rem3A_432 = arith.remsi %add3A_414, %jit3A_415 : i32
      %ne3A_433 = arith.constant 0 : i32
      %ne3A_434 = arith.cmpi ne, %rem3A_432, %ne3A_433 : i32
      %and3A_435 = arith.andi %ne3A_431, %ne3A_434 : i1
      %sub3A_436 = arith.constant 1 : i32
      %sub3A_437 = arith.subi %div3A_416, %sub3A_436 : i32
      %select_n3A_438 = arith.select %and3A_435, %sub3A_437, %div3A_416 : i32
      %jit3A_439 = arith.constant 4096 : i32
      %eq3A_440 = arith.constant 0 : i32
      %eq3A_441 = arith.cmpi eq, %jit3A_439, %eq3A_440 : i32
      %jit3A_442 = arith.constant 1 : i32
      %select_n3A_443 = arith.select %eq3A_441, %jit3A_442, %jit3A_439 : i32
      %rem3A_444 = arith.remsi %add3A_414, %select_n3A_443 : i32
      %ne3A_445 = arith.constant 0 : i32
      %ne3A_446 = arith.cmpi ne, %rem3A_444, %ne3A_445 : i32
      %lt3A_447 = arith.constant 0 : i32
      %lt3A_448 = arith.cmpi slt, %rem3A_444, %lt3A_447 : i32
      %lt3A_449 = arith.constant 0 : i32
      %lt3A_450 = arith.cmpi slt, %select_n3A_443, %lt3A_449 : i32
      %ne3A_451 = arith.xori %lt3A_448, %lt3A_450 : i1
      %and3A_452 = arith.andi %ne3A_451, %ne3A_446 : i1
      %add3A_453 = arith.addi %rem3A_444, %select_n3A_443 : i32
      %select_n3A_454 = arith.select %and3A_452, %add3A_453, %rem3A_444 : i32
      %jit3A_455 = arith.constant 128 : i32
      %div3A_456 = arith.divsi %select_n3A_454, %jit3A_455 : i32
      %sign3A_457 = arith.constant 0 : i32
      %sign3A_458 = arith.cmpi sgt, %select_n3A_454, %sign3A_457 : i32
      %sign3A_459 = arith.extui %sign3A_458 : i1 to i32
      %sign3A_460 = arith.constant 0 : i32
      %sign3A_461 = arith.cmpi slt, %select_n3A_454, %sign3A_460 : i32
      %sign3A_462 = arith.extui %sign3A_461 : i1 to i32
      %sign3A_463 = arith.subi %sign3A_459, %sign3A_462 : i32
      %sign3A_464 = arith.constant 0 : i32
      %sign3A_465 = arith.cmpi sgt, %jit3A_455, %sign3A_464 : i32
      %sign3A_466 = arith.extui %sign3A_465 : i1 to i32
      %sign3A_467 = arith.constant 0 : i32
      %sign3A_468 = arith.cmpi slt, %jit3A_455, %sign3A_467 : i32
      %sign3A_469 = arith.extui %sign3A_468 : i1 to i32
      %sign3A_470 = arith.subi %sign3A_466, %sign3A_469 : i32
      %ne3A_471 = arith.cmpi ne, %sign3A_463, %sign3A_470 : i32
      %rem3A_472 = arith.remsi %select_n3A_454, %jit3A_455 : i32
      %ne3A_473 = arith.constant 0 : i32
      %ne3A_474 = arith.cmpi ne, %rem3A_472, %ne3A_473 : i32
      %and3A_475 = arith.andi %ne3A_471, %ne3A_474 : i1
      %sub3A_476 = arith.constant 1 : i32
      %sub3A_477 = arith.subi %div3A_456, %sub3A_476 : i32
      %select_n3A_478 = arith.select %and3A_475, %sub3A_477, %div3A_456 : i32
      %dma_start3A_479 = arith.constant 0 : i32
      %dma_start3A_480 = arith.constant 0 : i32
      %dma_start3A_481 = arith.constant 0 : i32
      %dma_start3A_482 = arith.constant 0 : i32
      %dma_start3A_483 = tpu.memref_slice %arg9[%dma_start3A_479, %dma_start3A_480, %dma_start3A_481, %dma_start3A_482] : memref<4x4x8x131xf32, #tpu.memory_space<vmem>> -> memref<4x4x8x128xf32, #tpu.memory_space<vmem>>
      %dma_start3A_484 = arith.constant 0 : i32
      %dma_start3A_485 = arith.constant 0 : i32
      %dma_start3A_486 = arith.constant 0 : i32
      %dma_start3A_487 = tpu.memref_slice %arg4[%select_n3A_438, %dma_start3A_484, %select_n3A_478, %dma_start3A_485, %dma_start3A_486] : memref<200x4x32x8x128xf32, #tpu.memory_space<hbm>> -> memref<1x4x4x8x128xf32, #tpu.memory_space<hbm>>
      %dma_start3A_488 = tpu.memref_squeeze %dma_start3A_487 : memref<1x4x4x8x128xf32, #tpu.memory_space<hbm>> -> memref<4x4x8x128xf32, #tpu.memory_space<hbm>>
      %dma_start3A_489 = arith.constant 0 : i32
      %dma_start3A_490 = arith.constant 0 : i32
      %dma_start3A_491 = arith.constant 0 : i32
      %dma_start3A_492 = tpu.memref_slice %arg4[%select_n3A_438, %dma_start3A_489, %select_n3A_478, %dma_start3A_490, %dma_start3A_491] : memref<200x4x32x8x128xf32, #tpu.memory_space<hbm>> -> memref<1x4x4x8x128xf32, #tpu.memory_space<hbm>>
      %dma_start3A_493 = tpu.memref_squeeze %dma_start3A_492 : memref<1x4x4x8x128xf32, #tpu.memory_space<hbm>> -> memref<4x4x8x128xf32, #tpu.memory_space<hbm>>
      %dma_start3A_494 = arith.constant 0 : i32
      %dma_start3A_495 = arith.constant 0 : i32
      %dma_start3A_496 = arith.constant 0 : i32
      %dma_start3A_497 = arith.constant 0 : i32
      %dma_start3A_498 = tpu.memref_slice %arg9[%dma_start3A_494, %dma_start3A_495, %dma_start3A_496, %dma_start3A_497] : memref<4x4x8x131xf32, #tpu.memory_space<vmem>> -> memref<4x4x8x128xf32, #tpu.memory_space<vmem>>
      tpu.enqueue_dma source(%dma_start3A_498 : memref<4x4x8x128xf32, #tpu.memory_space<vmem>>) target(%dma_start3A_493 : memref<4x4x8x128xf32, #tpu.memory_space<hbm>>) target_semaphore(%arg13 : memref<!tpu.dma_semaphore, #tpu.memory_space<semaphore_mem>>)
      %add3A_499 = arith.constant 2 : i32
      %add3A_500 = arith.addi %mul3A_370, %add3A_499 : i32
      %lt3A_501 = arith.constant 50 : i32
      %lt3A_502 = arith.cmpi slt, %add3A_500, %lt3A_501 : i32
      %convert_element_type3A = arith.extui %lt3A_502 : i1 to i32
      %cond3A = arith.constant 0 : i32
      %cond3A_503 = arith.cmpi ne, %convert_element_type3A, %cond3A : i32
      scf.if %cond3A_503 {
        %add3A_626 = arith.constant 2 : i32
        %add3A_627 = arith.addi %mul3A_370, %add3A_626 : i32
        %mul3A_628 = arith.constant 512 : i32
        %mul3A_629 = arith.muli %add3A_627, %mul3A_628 : i32
        %add3A_630 = arith.addi %mul3A_2, %mul3A_629 : i32
        "tpu.region"() ({
          %run_scoped3A = tpu.sem_alloc : memref<!tpu.dma_semaphore, #tpu.memory_space<semaphore_mem>>
          %dma_start3A_634 = tpu.memref_slice %arg2[%add3A_630] : memref<819200xi32, #tpu.memory_space<hbm>> -> memref<512xi32, #tpu.memory_space<hbm>>
          %dma_start3A_635 = tpu.memref_slice %arg2[%add3A_630] : memref<819200xi32, #tpu.memory_space<hbm>> -> memref<512xi32, #tpu.memory_space<hbm>>
          tpu.enqueue_dma source(%dma_start3A_635 : memref<512xi32, #tpu.memory_space<hbm>>) target(%arg5 : memref<512xi32, #tpu.memory_space<vmem>>) target_semaphore(%run_scoped3A : memref<!tpu.dma_semaphore, #tpu.memory_space<semaphore_mem>>)
          %dma_wait3A_636 = tpu.memref_slice %arg2[%add3A_630] : memref<819200xi32, #tpu.memory_space<hbm>> -> memref<512xi32, #tpu.memory_space<hbm>>
          %dma_wait3A_637 = tpu.memref_slice %arg2[%add3A_630] : memref<819200xi32, #tpu.memory_space<hbm>> -> memref<512xi32, #tpu.memory_space<hbm>>
          tpu.wait_dma2 semaphore(%run_scoped3A : memref<!tpu.dma_semaphore, #tpu.memory_space<semaphore_mem>>) src(%dma_wait3A_637 : memref<512xi32, #tpu.memory_space<hbm>>) dst(%arg5 : memref<512xi32, #tpu.memory_space<vmem>>)
          tpu.yield
        }) : () -> ()
        %dma_start3A_631 = arith.constant 0 : i32
        %dma_start3A_632 = arith.constant 0 : i32
        %dma_start3A_633 = tpu.memref_slice %arg3[%dma_start3A_631, %dma_start3A_632] : memref<1000000x32xf32, #tpu.memory_space<hbm>> -> memref<1000000x32xf32, #tpu.memory_space<hbm>>
        tpu.enqueue_indirect_dma source(%dma_start3A_633 : memref<1000000x32xf32, #tpu.memory_space<hbm>>) target(%arg7 : memref<512x32xf32, #tpu.memory_space<vmem>>) offsets(%arg5 : memref<512xi32, #tpu.memory_space<vmem>>) semaphore(%arg11 : memref<!tpu.dma_semaphore, #tpu.memory_space<semaphore_mem>>)
      } else {
      }
      %dma_wait3A_504 = arith.constant 0 : i32
      %dma_wait3A_505 = arith.constant 0 : i32
      %dma_wait3A_506 = tpu.memref_slice %arg3[%dma_wait3A_504, %dma_wait3A_505] : memref<1000000x32xf32, #tpu.memory_space<hbm>> -> memref<1000000x32xf32, #tpu.memory_space<hbm>>
      tpu.wait_indirect_dma semaphore(%arg12 : memref<!tpu.dma_semaphore, #tpu.memory_space<semaphore_mem>>) src(%dma_wait3A_506 : memref<1000000x32xf32, #tpu.memory_space<hbm>>) dst(%arg8 : memref<512x32xf32, #tpu.memory_space<vmem>>)
      %dma_wait3A_507 = arith.constant 0 : i32
      %dma_wait3A_508 = arith.constant 0 : i32
      %dma_wait3A_509 = arith.constant 0 : i32
      %dma_wait3A_510 = arith.constant 0 : i32
      %dma_wait3A_511 = arith.constant 0 : i32
      %dma_wait3A_512 = tpu.memref_slice %arg10[%dma_wait3A_508, %dma_wait3A_509, %dma_wait3A_510, %dma_wait3A_511] : memref<4x4x8x131xf32, #tpu.memory_space<vmem>> -> memref<4x4x8x128xf32, #tpu.memory_space<vmem>>
      %dma_wait3A_513 = arith.constant 0 : i32
      %dma_wait3A_514 = arith.constant 0 : i32
      %dma_wait3A_515 = arith.constant 0 : i32
      %dma_wait3A_516 = arith.constant 0 : i32
      %dma_wait3A_517 = tpu.memref_slice %arg4[%dma_wait3A_507, %dma_wait3A_513, %dma_wait3A_514, %dma_wait3A_515, %dma_wait3A_516] : memref<200x4x32x8x128xf32, #tpu.memory_space<hbm>> -> memref<1x4x4x8x128xf32, #tpu.memory_space<hbm>>
      %dma_wait3A_518 = tpu.memref_squeeze %dma_wait3A_517 : memref<1x4x4x8x128xf32, #tpu.memory_space<hbm>> -> memref<4x4x8x128xf32, #tpu.memory_space<hbm>>
      %dma_wait3A_519 = arith.constant 0 : i32
      %dma_wait3A_520 = arith.constant 0 : i32
      %dma_wait3A_521 = arith.constant 0 : i32
      %dma_wait3A_522 = arith.constant 0 : i32
      %dma_wait3A_523 = tpu.memref_slice %arg4[%dma_wait3A_507, %dma_wait3A_519, %dma_wait3A_520, %dma_wait3A_521, %dma_wait3A_522] : memref<200x4x32x8x128xf32, #tpu.memory_space<hbm>> -> memref<1x4x4x8x128xf32, #tpu.memory_space<hbm>>
      %dma_wait3A_524 = tpu.memref_squeeze %dma_wait3A_523 : memref<1x4x4x8x128xf32, #tpu.memory_space<hbm>> -> memref<4x4x8x128xf32, #tpu.memory_space<hbm>>
      %dma_wait3A_525 = arith.constant 0 : i32
      %dma_wait3A_526 = arith.constant 0 : i32
      %dma_wait3A_527 = arith.constant 0 : i32
      %dma_wait3A_528 = arith.constant 0 : i32
      %dma_wait3A_529 = tpu.memref_slice %arg10[%dma_wait3A_525, %dma_wait3A_526, %dma_wait3A_527, %dma_wait3A_528] : memref<4x4x8x131xf32, #tpu.memory_space<vmem>> -> memref<4x4x8x128xf32, #tpu.memory_space<vmem>>
      tpu.wait_dma2 semaphore(%arg14 : memref<!tpu.dma_semaphore, #tpu.memory_space<semaphore_mem>>) src(%dma_wait3A_529 : memref<4x4x8x128xf32, #tpu.memory_space<vmem>>) dst(%dma_wait3A_524 : memref<4x4x8x128xf32, #tpu.memory_space<hbm>>)
      %scan3A_530 = arith.constant 0 : i32
      %scan3A_531 = arith.constant 0 : i32
      %scan3A_532 = arith.constant 128 : i32
      %scan3A_533 = arith.addi %scan3A_531, %scan3A_532 : i32
      %scan3A_534 = arith.constant 1 : i32
      %scan3A_535 = scf.for %scan3A_626 = %scan3A_531 to %scan3A_533 step %scan3A_534 iter_args(%scan3A_627 = %scan3A_530) -> (i32)  : i32 {
        %mul3A_628 = arith.constant 4 : i32
        %mul3A_629 = arith.muli %mul3A_628, %scan3A_626 : i32
        %jit3A_630 = arith.constant 128 : i32
        %div3A_631 = arith.divsi %mul3A_629, %jit3A_630 : i32
        %sign3A_632 = arith.constant 0 : i32
        %sign3A_633 = arith.cmpi sgt, %mul3A_629, %sign3A_632 : i32
        %sign3A_634 = arith.extui %sign3A_633 : i1 to i32
        %sign3A_635 = arith.constant 0 : i32
        %sign3A_636 = arith.cmpi slt, %mul3A_629, %sign3A_635 : i32
        %sign3A_637 = arith.extui %sign3A_636 : i1 to i32
        %sign3A_638 = arith.subi %sign3A_634, %sign3A_637 : i32
        %sign3A_639 = arith.constant 0 : i32
        %sign3A_640 = arith.cmpi sgt, %jit3A_630, %sign3A_639 : i32
        %sign3A_641 = arith.extui %sign3A_640 : i1 to i32
        %sign3A_642 = arith.constant 0 : i32
        %sign3A_643 = arith.cmpi slt, %jit3A_630, %sign3A_642 : i32
        %sign3A_644 = arith.extui %sign3A_643 : i1 to i32
        %sign3A_645 = arith.subi %sign3A_641, %sign3A_644 : i32
        %ne3A_646 = arith.cmpi ne, %sign3A_638, %sign3A_645 : i32
        %rem3A_647 = arith.remsi %mul3A_629, %jit3A_630 : i32
        %ne3A_648 = arith.constant 0 : i32
        %ne3A_649 = arith.cmpi ne, %rem3A_647, %ne3A_648 : i32
        %and3A_650 = arith.andi %ne3A_646, %ne3A_649 : i1
        %sub3A_651 = arith.constant 1 : i32
        %sub3A_652 = arith.subi %div3A_631, %sub3A_651 : i32
        %select_n3A_653 = arith.select %and3A_650, %sub3A_652, %div3A_631 : i32
        %add3A_654 = vector.broadcast %select_n3A_653 : i32 to vector<16xi32>
        %add3A_655 = arith.addi %broadcast_in_dim3A_3, %add3A_654 : vector<16xi32>
        %add3A_656 = arith.constant 0 : i32
        %add3A_657 = arith.addi %mul3A_629, %add3A_656 : i32
        %jit3A_658 = arith.constant 128 : i32
        %eq3A_659 = arith.constant 0 : i32
        %eq3A_660 = arith.cmpi eq, %jit3A_658, %eq3A_659 : i32
        %jit3A_661 = arith.constant 1 : i32
        %select_n3A_662 = arith.select %eq3A_660, %jit3A_661, %jit3A_658 : i32
        %rem3A_663 = arith.remsi %add3A_657, %select_n3A_662 : i32
        %ne3A_664 = arith.constant 0 : i32
        %ne3A_665 = arith.cmpi ne, %rem3A_663, %ne3A_664 : i32
        %lt3A_666 = arith.constant 0 : i32
        %lt3A_667 = arith.cmpi slt, %rem3A_663, %lt3A_666 : i32
        %lt3A_668 = arith.constant 0 : i32
        %lt3A_669 = arith.cmpi slt, %select_n3A_662, %lt3A_668 : i32
        %ne3A_670 = arith.xori %lt3A_667, %lt3A_669 : i1
        %and3A_671 = arith.andi %ne3A_670, %ne3A_665 : i1
        %add3A_672 = arith.addi %rem3A_663, %select_n3A_662 : i32
        %select_n3A_673 = arith.select %and3A_671, %add3A_672, %rem3A_663 : i32
        %add3A_674 = vector.broadcast %select_n3A_673 : i32 to vector<16xi32>
        %add3A_675 = arith.addi %broadcast_in_dim3A_3, %add3A_674 : vector<16xi32>
        %get3A = arith.index_cast %add3A_657 : i32 to index
        %get3A_676 = arith.constant 0 : index
        %get3A_677 = tpu.vector_load %arg8[%get3A, %get3A_676] {strides = array<i32>} : memref<512x32xf32, #tpu.memory_space<vmem>>, vector<16xf32>,
        tpu.vector_store_idx %arg10[%add3A_29, %add3A_655, %select_n3A_85, %add3A_675], %get3A_677 : memref<4x4x8x131xf32, #tpu.memory_space<vmem>>[vector<16xi32>, vector<16xi32>, vector<16xi32>, vector<16xi32>], vector<16xf32>,
        %get3A_678 = arith.index_cast %add3A_657 : i32 to index
        %get3A_679 = arith.constant 16 : index
        %get3A_680 = tpu.vector_load %arg8[%get3A_678, %get3A_679] {strides = array<i32>} : memref<512x32xf32, #tpu.memory_space<vmem>>, vector<16xf32>,
        tpu.vector_store_idx %arg10[%add3A_64, %add3A_655, %select_n3A_108, %add3A_675], %get3A_680 : memref<4x4x8x131xf32, #tpu.memory_space<vmem>>[vector<16xi32>, vector<16xi32>, vector<16xi32>, vector<16xi32>], vector<16xf32>,
        %add3A_681 = arith.constant 1 : i32
        %add3A_682 = arith.addi %mul3A_629, %add3A_681 : i32
        %jit3A_683 = arith.constant 128 : i32
        %eq3A_684 = arith.constant 0 : i32
        %eq3A_685 = arith.cmpi eq, %jit3A_683, %eq3A_684 : i32
        %jit3A_686 = arith.constant 1 : i32
        %select_n3A_687 = arith.select %eq3A_685, %jit3A_686, %jit3A_683 : i32
        %rem3A_688 = arith.remsi %add3A_682, %select_n3A_687 : i32
        %ne3A_689 = arith.constant 0 : i32
        %ne3A_690 = arith.cmpi ne, %rem3A_688, %ne3A_689 : i32
        %lt3A_691 = arith.constant 0 : i32
        %lt3A_692 = arith.cmpi slt, %rem3A_688, %lt3A_691 : i32
        %lt3A_693 = arith.constant 0 : i32
        %lt3A_694 = arith.cmpi slt, %select_n3A_687, %lt3A_693 : i32
        %ne3A_695 = arith.xori %lt3A_692, %lt3A_694 : i1
        %and3A_696 = arith.andi %ne3A_695, %ne3A_690 : i1
        %add3A_697 = arith.addi %rem3A_688, %select_n3A_687 : i32
        %select_n3A_698 = arith.select %and3A_696, %add3A_697, %rem3A_688 : i32
        %add3A_699 = vector.broadcast %select_n3A_698 : i32 to vector<16xi32>
        %add3A_700 = arith.addi %broadcast_in_dim3A_3, %add3A_699 : vector<16xi32>
        %get3A_701 = arith.index_cast %add3A_682 : i32 to index
        %get3A_702 = arith.constant 0 : index
        %get3A_703 = tpu.vector_load %arg8[%get3A_701, %get3A_702] {strides = array<i32>} : memref<512x32xf32, #tpu.memory_space<vmem>>, vector<16xf32>,
        tpu.vector_store_idx %arg10[%add3A_29, %add3A_655, %select_n3A_85, %add3A_700], %get3A_703 : memref<4x4x8x131xf32, #tpu.memory_space<vmem>>[vector<16xi32>, vector<16xi32>, vector<16xi32>, vector<16xi32>], vector<16xf32>,
        %get3A_704 = arith.index_cast %add3A_682 : i32 to index
        %get3A_705 = arith.constant 16 : index
        %get3A_706 = tpu.vector_load %arg8[%get3A_704, %get3A_705] {strides = array<i32>} : memref<512x32xf32, #tpu.memory_space<vmem>>, vector<16xf32>,
        tpu.vector_store_idx %arg10[%add3A_64, %add3A_655, %select_n3A_108, %add3A_700], %get3A_706 : memref<4x4x8x131xf32, #tpu.memory_space<vmem>>[vector<16xi32>, vector<16xi32>, vector<16xi32>, vector<16xi32>], vector<16xf32>,
        %add3A_707 = arith.constant 2 : i32
        %add3A_708 = arith.addi %mul3A_629, %add3A_707 : i32
        %jit3A_709 = arith.constant 128 : i32
        %eq3A_710 = arith.constant 0 : i32
        %eq3A_711 = arith.cmpi eq, %jit3A_709, %eq3A_710 : i32
        %jit3A_712 = arith.constant 1 : i32
        %select_n3A_713 = arith.select %eq3A_711, %jit3A_712, %jit3A_709 : i32
        %rem3A_714 = arith.remsi %add3A_708, %select_n3A_713 : i32
        %ne3A_715 = arith.constant 0 : i32
        %ne3A_716 = arith.cmpi ne, %rem3A_714, %ne3A_715 : i32
        %lt3A_717 = arith.constant 0 : i32
        %lt3A_718 = arith.cmpi slt, %rem3A_714, %lt3A_717 : i32
        %lt3A_719 = arith.constant 0 : i32
        %lt3A_720 = arith.cmpi slt, %select_n3A_713, %lt3A_719 : i32
        %ne3A_721 = arith.xori %lt3A_718, %lt3A_720 : i1
        %and3A_722 = arith.andi %ne3A_721, %ne3A_716 : i1
        %add3A_723 = arith.addi %rem3A_714, %select_n3A_713 : i32
        %select_n3A_724 = arith.select %and3A_722, %add3A_723, %rem3A_714 : i32
        %add3A_725 = vector.broadcast %select_n3A_724 : i32 to vector<16xi32>
        %add3A_726 = arith.addi %broadcast_in_dim3A_3, %add3A_725 : vector<16xi32>
        %get3A_727 = arith.index_cast %add3A_708 : i32 to index
        %get3A_728 = arith.constant 0 : index
        %get3A_729 = tpu.vector_load %arg8[%get3A_727, %get3A_728] {strides = array<i32>} : memref<512x32xf32, #tpu.memory_space<vmem>>, vector<16xf32>,
        tpu.vector_store_idx %arg10[%add3A_29, %add3A_655, %select_n3A_85, %add3A_726], %get3A_729 : memref<4x4x8x131xf32, #tpu.memory_space<vmem>>[vector<16xi32>, vector<16xi32>, vector<16xi32>, vector<16xi32>], vector<16xf32>,
        %get3A_730 = arith.index_cast %add3A_708 : i32 to index
        %get3A_731 = arith.constant 16 : index
        %get3A_732 = tpu.vector_load %arg8[%get3A_730, %get3A_731] {strides = array<i32>} : memref<512x32xf32, #tpu.memory_space<vmem>>, vector<16xf32>,
        tpu.vector_store_idx %arg10[%add3A_64, %add3A_655, %select_n3A_108, %add3A_726], %get3A_732 : memref<4x4x8x131xf32, #tpu.memory_space<vmem>>[vector<16xi32>, vector<16xi32>, vector<16xi32>, vector<16xi32>], vector<16xf32>,
        %add3A_733 = arith.constant 3 : i32
        %add3A_734 = arith.addi %mul3A_629, %add3A_733 : i32
        %jit3A_735 = arith.constant 128 : i32
        %eq3A_736 = arith.constant 0 : i32
        %eq3A_737 = arith.cmpi eq, %jit3A_735, %eq3A_736 : i32
        %jit3A_738 = arith.constant 1 : i32
        %select_n3A_739 = arith.select %eq3A_737, %jit3A_738, %jit3A_735 : i32
        %rem3A_740 = arith.remsi %add3A_734, %select_n3A_739 : i32
        %ne3A_741 = arith.constant 0 : i32
        %ne3A_742 = arith.cmpi ne, %rem3A_740, %ne3A_741 : i32
        %lt3A_743 = arith.constant 0 : i32
        %lt3A_744 = arith.cmpi slt, %rem3A_740, %lt3A_743 : i32
        %lt3A_745 = arith.constant 0 : i32
        %lt3A_746 = arith.cmpi slt, %select_n3A_739, %lt3A_745 : i32
        %ne3A_747 = arith.xori %lt3A_744, %lt3A_746 : i1
        %and3A_748 = arith.andi %ne3A_747, %ne3A_742 : i1
        %add3A_749 = arith.addi %rem3A_740, %select_n3A_739 : i32
        %select_n3A_750 = arith.select %and3A_748, %add3A_749, %rem3A_740 : i32
        %add3A_751 = vector.broadcast %select_n3A_750 : i32 to vector<16xi32>
        %add3A_752 = arith.addi %broadcast_in_dim3A_3, %add3A_751 : vector<16xi32>
        %get3A_753 = arith.index_cast %add3A_734 : i32 to index
        %get3A_754 = arith.constant 0 : index
        %get3A_755 = tpu.vector_load %arg8[%get3A_753, %get3A_754] {strides = array<i32>} : memref<512x32xf32, #tpu.memory_space<vmem>>, vector<16xf32>,
        tpu.vector_store_idx %arg10[%add3A_29, %add3A_655, %select_n3A_85, %add3A_752], %get3A_755 : memref<4x4x8x131xf32, #tpu.memory_space<vmem>>[vector<16xi32>, vector<16xi32>, vector<16xi32>, vector<16xi32>], vector<16xf32>,
        %get3A_756 = arith.index_cast %add3A_734 : i32 to index
        %get3A_757 = arith.constant 16 : index
        %get3A_758 = tpu.vector_load %arg8[%get3A_756, %get3A_757] {strides = array<i32>} : memref<512x32xf32, #tpu.memory_space<vmem>>, vector<16xf32>,
        tpu.vector_store_idx %arg10[%add3A_64, %add3A_655, %select_n3A_108, %add3A_752], %get3A_758 : memref<4x4x8x131xf32, #tpu.memory_space<vmem>>[vector<16xi32>, vector<16xi32>, vector<16xi32>, vector<16xi32>], vector<16xf32>,
        %scan3A_759 = arith.constant 0 : i32
        scf.yield %scan3A_759 : i32
      }
      %scan3A_536 = arith.constant 128 : i32
      %add3A_537 = arith.constant 1 : i32
      %add3A_538 = arith.addi %mul3A_370, %add3A_537 : i32
      %mul3A_539 = arith.constant 512 : i32
      %mul3A_540 = arith.muli %add3A_538, %mul3A_539 : i32
      %add3A_541 = arith.addi %mul3A_2, %mul3A_540 : i32
      %jit3A_542 = arith.constant 4096 : i32
      %div3A_543 = arith.divsi %add3A_541, %jit3A_542 : i32
      %sign3A_544 = arith.constant 0 : i32
      %sign3A_545 = arith.cmpi sgt, %add3A_541, %sign3A_544 : i32
      %sign3A_546 = arith.extui %sign3A_545 : i1 to i32
      %sign3A_547 = arith.constant 0 : i32
      %sign3A_548 = arith.cmpi slt, %add3A_541, %sign3A_547 : i32
      %sign3A_549 = arith.extui %sign3A_548 : i1 to i32
      %sign3A_550 = arith.subi %sign3A_546, %sign3A_549 : i32
      %sign3A_551 = arith.constant 0 : i32
      %sign3A_552 = arith.cmpi sgt, %jit3A_542, %sign3A_551 : i32
      %sign3A_553 = arith.extui %sign3A_552 : i1 to i32
      %sign3A_554 = arith.constant 0 : i32
      %sign3A_555 = arith.cmpi slt, %jit3A_542, %sign3A_554 : i32
      %sign3A_556 = arith.extui %sign3A_555 : i1 to i32
      %sign3A_557 = arith.subi %sign3A_553, %sign3A_556 : i32
      %ne3A_558 = arith.cmpi ne, %sign3A_550, %sign3A_557 : i32
      %rem3A_559 = arith.remsi %add3A_541, %jit3A_542 : i32
      %ne3A_560 = arith.constant 0 : i32
      %ne3A_561 = arith.cmpi ne, %rem3A_559, %ne3A_560 : i32
      %and3A_562 = arith.andi %ne3A_558, %ne3A_561 : i1
      %sub3A_563 = arith.constant 1 : i32
      %sub3A_564 = arith.subi %div3A_543, %sub3A_563 : i32
      %select_n3A_565 = arith.select %and3A_562, %sub3A_564, %div3A_543 : i32
      %jit3A_566 = arith.constant 4096 : i32
      %eq3A_567 = arith.constant 0 : i32
      %eq3A_568 = arith.cmpi eq, %jit3A_566, %eq3A_567 : i32
      %jit3A_569 = arith.constant 1 : i32
      %select_n3A_570 = arith.select %eq3A_568, %jit3A_569, %jit3A_566 : i32
      %rem3A_571 = arith.remsi %add3A_541, %select_n3A_570 : i32
      %ne3A_572 = arith.constant 0 : i32
      %ne3A_573 = arith.cmpi ne, %rem3A_571, %ne3A_572 : i32
      %lt3A_574 = arith.constant 0 : i32
      %lt3A_575 = arith.cmpi slt, %rem3A_571, %lt3A_574 : i32
      %lt3A_576 = arith.constant 0 : i32
      %lt3A_577 = arith.cmpi slt, %select_n3A_570, %lt3A_576 : i32
      %ne3A_578 = arith.xori %lt3A_575, %lt3A_577 : i1
      %and3A_579 = arith.andi %ne3A_578, %ne3A_573 : i1
      %add3A_580 = arith.addi %rem3A_571, %select_n3A_570 : i32
      %select_n3A_581 = arith.select %and3A_579, %add3A_580, %rem3A_571 : i32
      %jit3A_582 = arith.constant 128 : i32
      %div3A_583 = arith.divsi %select_n3A_581, %jit3A_582 : i32
      %sign3A_584 = arith.constant 0 : i32
      %sign3A_585 = arith.cmpi sgt, %select_n3A_581, %sign3A_584 : i32
      %sign3A_586 = arith.extui %sign3A_585 : i1 to i32
      %sign3A_587 = arith.constant 0 : i32
      %sign3A_588 = arith.cmpi slt, %select_n3A_581, %sign3A_587 : i32
      %sign3A_589 = arith.extui %sign3A_588 : i1 to i32
      %sign3A_590 = arith.subi %sign3A_586, %sign3A_589 : i32
      %sign3A_591 = arith.constant 0 : i32
      %sign3A_592 = arith.cmpi sgt, %jit3A_582, %sign3A_591 : i32
      %sign3A_593 = arith.extui %sign3A_592 : i1 to i32
      %sign3A_594 = arith.constant 0 : i32
      %sign3A_595 = arith.cmpi slt, %jit3A_582, %sign3A_594 : i32
      %sign3A_596 = arith.extui %sign3A_595 : i1 to i32
      %sign3A_597 = arith.subi %sign3A_593, %sign3A_596 : i32
      %ne3A_598 = arith.cmpi ne, %sign3A_590, %sign3A_597 : i32
      %rem3A_599 = arith.remsi %select_n3A_581, %jit3A_582 : i32
      %ne3A_600 = arith.constant 0 : i32
      %ne3A_601 = arith.cmpi ne, %rem3A_599, %ne3A_600 : i32
      %and3A_602 = arith.andi %ne3A_598, %ne3A_601 : i1
      %sub3A_603 = arith.constant 1 : i32
      %sub3A_604 = arith.subi %div3A_583, %sub3A_603 : i32
      %select_n3A_605 = arith.select %and3A_602, %sub3A_604, %div3A_583 : i32
      %dma_start3A_606 = arith.constant 0 : i32
      %dma_start3A_607 = arith.constant 0 : i32
      %dma_start3A_608 = arith.constant 0 : i32
      %dma_start3A_609 = arith.constant 0 : i32
      %dma_start3A_610 = tpu.memref_slice %arg10[%dma_start3A_606, %dma_start3A_607, %dma_start3A_608, %dma_start3A_609] : memref<4x4x8x131xf32, #tpu.memory_space<vmem>> -> memref<4x4x8x128xf32, #tpu.memory_space<vmem>>
      %dma_start3A_611 = arith.constant 0 : i32
      %dma_start3A_612 = arith.constant 0 : i32
      %dma_start3A_613 = arith.constant 0 : i32
      %dma_start3A_614 = tpu.memref_slice %arg4[%select_n3A_565, %dma_start3A_611, %select_n3A_605, %dma_start3A_612, %dma_start3A_613] : memref<200x4x32x8x128xf32, #tpu.memory_space<hbm>> -> memref<1x4x4x8x128xf32, #tpu.memory_space<hbm>>
      %dma_start3A_615 = tpu.memref_squeeze %dma_start3A_614 : memref<1x4x4x8x128xf32, #tpu.memory_space<hbm>> -> memref<4x4x8x128xf32, #tpu.memory_space<hbm>>
      %dma_start3A_616 = arith.constant 0 : i32
      %dma_start3A_617 = arith.constant 0 : i32
      %dma_start3A_618 = arith.constant 0 : i32
      %dma_start3A_619 = tpu.memref_slice %arg4[%select_n3A_565, %dma_start3A_616, %select_n3A_605, %dma_start3A_617, %dma_start3A_618] : memref<200x4x32x8x128xf32, #tpu.memory_space<hbm>> -> memref<1x4x4x8x128xf32, #tpu.memory_space<hbm>>
      %dma_start3A_620 = tpu.memref_squeeze %dma_start3A_619 : memref<1x4x4x8x128xf32, #tpu.memory_space<hbm>> -> memref<4x4x8x128xf32, #tpu.memory_space<hbm>>
      %dma_start3A_621 = arith.constant 0 : i32
      %dma_start3A_622 = arith.constant 0 : i32
      %dma_start3A_623 = arith.constant 0 : i32
      %dma_start3A_624 = arith.constant 0 : i32
      %dma_start3A_625 = tpu.memref_slice %arg10[%dma_start3A_621, %dma_start3A_622, %dma_start3A_623, %dma_start3A_624] : memref<4x4x8x131xf32, #tpu.memory_space<vmem>> -> memref<4x4x8x128xf32, #tpu.memory_space<vmem>>
      tpu.enqueue_dma source(%dma_start3A_625 : memref<4x4x8x128xf32, #tpu.memory_space<vmem>>) target(%dma_start3A_620 : memref<4x4x8x128xf32, #tpu.memory_space<hbm>>) target_semaphore(%arg14 : memref<!tpu.dma_semaphore, #tpu.memory_space<semaphore_mem>>)
    }
    %scan3A_317 = arith.constant 24 : i32
    %dma_wait3A_318 = arith.constant 0 : i32
    %dma_wait3A_319 = arith.constant 0 : i32
    %dma_wait3A_320 = arith.constant 0 : i32
    %dma_wait3A_321 = arith.constant 0 : i32
    %dma_wait3A_322 = arith.constant 0 : i32
    %dma_wait3A_323 = tpu.memref_slice %arg9[%dma_wait3A_319, %dma_wait3A_320, %dma_wait3A_321, %dma_wait3A_322] : memref<4x4x8x131xf32, #tpu.memory_space<vmem>> -> memref<4x4x8x128xf32, #tpu.memory_space<vmem>>
    %dma_wait3A_324 = arith.constant 0 : i32
    %dma_wait3A_325 = arith.constant 0 : i32
    %dma_wait3A_326 = arith.constant 0 : i32
    %dma_wait3A_327 = arith.constant 0 : i32
    %dma_wait3A_328 = tpu.memref_slice %arg4[%dma_wait3A_318, %dma_wait3A_324, %dma_wait3A_325, %dma_wait3A_326, %dma_wait3A_327] : memref<200x4x32x8x128xf32, #tpu.memory_space<hbm>> -> memref<1x4x4x8x128xf32, #tpu.memory_space<hbm>>
    %dma_wait3A_329 = tpu.memref_squeeze %dma_wait3A_328 : memref<1x4x4x8x128xf32, #tpu.memory_space<hbm>> -> memref<4x4x8x128xf32, #tpu.memory_space<hbm>>
    %dma_wait3A_330 = arith.constant 0 : i32
    %dma_wait3A_331 = arith.constant 0 : i32
    %dma_wait3A_332 = arith.constant 0 : i32
    %dma_wait3A_333 = arith.constant 0 : i32
    %dma_wait3A_334 = tpu.memref_slice %arg4[%dma_wait3A_318, %dma_wait3A_330, %dma_wait3A_331, %dma_wait3A_332, %dma_wait3A_333] : memref<200x4x32x8x128xf32, #tpu.memory_space<hbm>> -> memref<1x4x4x8x128xf32, #tpu.memory_space<hbm>>
    %dma_wait3A_335 = tpu.memref_squeeze %dma_wait3A_334 : memref<1x4x4x8x128xf32, #tpu.memory_space<hbm>> -> memref<4x4x8x128xf32, #tpu.memory_space<hbm>>
    %dma_wait3A_336 = arith.constant 0 : i32
    %dma_wait3A_337 = arith.constant 0 : i32
    %dma_wait3A_338 = arith.constant 0 : i32
    %dma_wait3A_339 = arith.constant 0 : i32
    %dma_wait3A_340 = tpu.memref_slice %arg9[%dma_wait3A_336, %dma_wait3A_337, %dma_wait3A_338, %dma_wait3A_339] : memref<4x4x8x131xf32, #tpu.memory_space<vmem>> -> memref<4x4x8x128xf32, #tpu.memory_space<vmem>>
    tpu.wait_dma2 semaphore(%arg13 : memref<!tpu.dma_semaphore, #tpu.memory_space<semaphore_mem>>) src(%dma_wait3A_340 : memref<4x4x8x128xf32, #tpu.memory_space<vmem>>) dst(%dma_wait3A_335 : memref<4x4x8x128xf32, #tpu.memory_space<hbm>>)
    %dma_wait3A_341 = arith.constant 0 : i32
    %dma_wait3A_342 = arith.constant 0 : i32
    %dma_wait3A_343 = arith.constant 0 : i32
    %dma_wait3A_344 = arith.constant 0 : i32
    %dma_wait3A_345 = arith.constant 0 : i32
    %dma_wait3A_346 = tpu.memref_slice %arg10[%dma_wait3A_342, %dma_wait3A_343, %dma_wait3A_344, %dma_wait3A_345] : memref<4x4x8x131xf32, #tpu.memory_space<vmem>> -> memref<4x4x8x128xf32, #tpu.memory_space<vmem>>
    %dma_wait3A_347 = arith.constant 0 : i32
    %dma_wait3A_348 = arith.constant 0 : i32
    %dma_wait3A_349 = arith.constant 0 : i32
    %dma_wait3A_350 = arith.constant 0 : i32
    %dma_wait3A_351 = tpu.memref_slice %arg4[%dma_wait3A_341, %dma_wait3A_347, %dma_wait3A_348, %dma_wait3A_349, %dma_wait3A_350] : memref<200x4x32x8x128xf32, #tpu.memory_space<hbm>> -> memref<1x4x4x8x128xf32, #tpu.memory_space<hbm>>
    %dma_wait3A_352 = tpu.memref_squeeze %dma_wait3A_351 : memref<1x4x4x8x128xf32, #tpu.memory_space<hbm>> -> memref<4x4x8x128xf32, #tpu.memory_space<hbm>>
    %dma_wait3A_353 = arith.constant 0 : i32
    %dma_wait3A_354 = arith.constant 0 : i32
    %dma_wait3A_355 = arith.constant 0 : i32
    %dma_wait3A_356 = arith.constant 0 : i32
    %dma_wait3A_357 = tpu.memref_slice %arg4[%dma_wait3A_341, %dma_wait3A_353, %dma_wait3A_354, %dma_wait3A_355, %dma_wait3A_356] : memref<200x4x32x8x128xf32, #tpu.memory_space<hbm>> -> memref<1x4x4x8x128xf32, #tpu.memory_space<hbm>>
    %dma_wait3A_358 = tpu.memref_squeeze %dma_wait3A_357 : memref<1x4x4x8x128xf32, #tpu.memory_space<hbm>> -> memref<4x4x8x128xf32, #tpu.memory_space<hbm>>
    %dma_wait3A_359 = arith.constant 0 : i32
    %dma_wait3A_360 = arith.constant 0 : i32
    %dma_wait3A_361 = arith.constant 0 : i32
    %dma_wait3A_362 = arith.constant 0 : i32
    %dma_wait3A_363 = tpu.memref_slice %arg10[%dma_wait3A_359, %dma_wait3A_360, %dma_wait3A_361, %dma_wait3A_362] : memref<4x4x8x131xf32, #tpu.memory_space<vmem>> -> memref<4x4x8x128xf32, #tpu.memory_space<vmem>>
    tpu.wait_dma2 semaphore(%arg14 : memref<!tpu.dma_semaphore, #tpu.memory_space<semaphore_mem>>) src(%dma_wait3A_363 : memref<4x4x8x128xf32, #tpu.memory_space<vmem>>) dst(%dma_wait3A_358 : memref<4x4x8x128xf32, #tpu.memory_space<hbm>>)
    return
  }
}

</mosaic_0001>

<sc_bundles>
// kernel: kernel.3.cloned.1.call-start
scs
__scs_entry_jumppad:
0x0: {  	(pc) =	sbr.rel $0x88, $3  }
0x1: {  	(tag) =	ssettag $0x0;
	lr =	simm.s32 $0x1  }
0x2: {  	[smem:$0x3F9F] =	sst lr;
	_ =	strace $0xD0000000  }
0x3: {  	_ = 	snop  }
0x4: {  	_ = 	snop  }
0x5: {  	_ = 	snop  }
0x6: {  	_ = 	snop  }
0x7: {  	_ = 	snop  }
__scs_overlays_trampoline_lowered:
0x8: {  	[smem:$0x3FAE] =	sst s0  }
0x9: {  	[smem:$0x3FAF] =	sst s1  }
0xa: {  	[smem:$0x3FB0] =	sst s2  }
0xb: {  	[smem:$0x3FB1] =	sst s3  }
0xc: {  	[smem:$0x3FB2] =	sst s4  }
0xd: {  	[smem:$0x3FB3] =	sst s5  }
0xe: {  	[smem:$0x3FB4] =	sst s6  }
0xf: {  	[smem:$0x3FB5] =	sst s7  }
0x10: {  	[smem:$0x3FB6] =	sst s8  }
0x11: {  	[smem:$0x3FB7] =	sst s9;
	s0 =	simm.s32 @!p0 $0x0  }
0x12: {  	s1 =	sld [smem:$0x3F9D];
	s0 =	simm.s32 @p0 $0x1  }
0x13: {  	[smem:$0x3FB8] =	sst s0;
	s0 =	simm.s32 @!p1 $0x0  }
0x14: {  	s2 =	sld [smem:$0x3F9C];
	s0 =	simm.s32 @p1 $0x1  }
0x15: {  	[smem:$0x3FB9] =	sst s0;
	s0 =	simm.s32 @!p2 $0x0  }
0x16: {  	s3 =	sld [smem:$0x3FDB];
	s0 =	simm.s32 @p2 $0x1  }
0x17: {  	s4 =	simm.s32 $0x1BF5;
	[smem:$0x3FBB] =	sst s0  }
0x18: {  	s0 =	sld [smem:$0x3F9E];
	_ =	swait.ge [sflag:s4], $0x0  }
0x19: {  	s7 =	sld [smem:$0x3F9F]  }
0x1a: {  	s8 =	sadd.s32 $0xFFFFE003, lr  }
0x1b: {  	s9 =	sadd.s32 $0xFFFFFEF7, lr;
	s5 =	simm.s32 $0xFFFFFFFF;
	p2 =	slt.u32 s8, $0xFFFFF086  }
0x1c: {  	p1 =	slt.u32 s9, $0xF7A;
	s5 =	simm.s32 @!p2 $0x0  }
0x1d: {  	s5 =	simm.s32 @p1 $0x1;
	p0 =	seq.s32 s7, s2  }
0x1e: {  	s7 =	smul.u32 @!p0 $0xF7A, s2;
	p2 =	seq.s32 @!p0 s5, $0x0  }
0x1f: {  	s9 =	smul.u32 $0xF7A, s1;
	s8 =	simm.s32 @!p0 $0x1BF5;
	p2 =	por !p2, p0  }
0x20: {  	[sflag:s8] =	ssyncset.s32 @!p0 $0xFFFFF086;
	s6 =	sadd.s32 @!p0 s3, s7;
	s7 =	simm.s32 @!p0 $0x108  }
0x21: {  	s3 =	sadd.s32 s3, s9;
	s6 =	sadd.s32 @!p0 $0x88, s6;
	s7 =	simm.s32 @p2 $0x1082  }
0x22: {  	[simem:s7], [sflag:s8] =	dma.local @!p0 [hbm:s6], $0xF7A  }
0x23: {  	s9 =	sor.u32 $0xD0000000, s2;
	s6 =	simm.s32 $0x108;
	_ =	swait.ge @!p0 [sflag:s8], $0x0  }
0x24: {  	s3 =	sadd.s32 $0x88, s3;
	s6 =	simm.s32 @!p1 $0x1082;
	[sflag:s4] =	ssyncset.s32 $0xFFFFF086  }
0x25: {  	[simem:s6], [sflag:s4] =	dma.local [hbm:s3], $0xF7A  }
0x26: {  	[smem:$0x3F9F] =	sst s1;
	(tag) =	ssettag s2;
	_ =	strace s9  }
0x27: {  	s1 =	sld [smem:$0x3FAF]  }
0x28: {  	s2 =	sld [smem:$0x3FB0]  }
0x29: {  	s4 =	sld [smem:$0x3FB2]  }
0x2a: {  	p0 =	seq.s32 s5, $0x0;
	s5 =	sld [smem:$0x3FB3]  }
0x2b: {  	s6 =	sld [smem:$0x3FB4]  }
0x2c: {  	s7 =	sld [smem:$0x3FB5]  }
0x2d: {  	s3 =	simm.s32 $0x108;
	s8 =	sld [smem:$0x3FB6]  }
0x2e: {  	s3 =	simm.s32 @!p0 $0x1082;
	s9 =	sld [smem:$0x3FB7]  }
0x2f: {  	lr =	sadd.s32 s0, s3;
	s0 =	sld [smem:$0x3FAE]  }
0x30: {  	s3 =	sld [smem:$0x3FB1]  }
0x31: {  	[smem:$0x3FBA] =	sst s10  }
0x32: {  	s10 =	sld [smem:$0x3FB8];
	_ =	sdelay $0x3  }
0x33: {  	p0 =	seq.s32 s10, $0x1;
	s10 =	sld [smem:$0x3FBA];
	_ =	sdelay $0x3  }
0x34: {  	[smem:$0x3FBA] =	sst s10  }
0x35: {  	s10 =	sld [smem:$0x3FB9];
	_ =	sdelay $0x3  }
0x36: {  	p1 =	seq.s32 s10, $0x1;
	s10 =	sld [smem:$0x3FBA];
	_ =	sdelay $0x3  }
0x37: {  	[smem:$0x3FBA] =	sst s10  }
0x38: {  	s10 =	sld [smem:$0x3FBB]  }
0x39: {  	_ = 	snop;
	(pc) =	sbr.ind lr, $3  }
0x3a: {  	_ = 	snop  }
0x3b: {  	_ = 	snop  }
0x3c: {  	p2 =	seq.s32 s10, $0x1;
	s10 =	sld [smem:$0x3FBA]  }
0x3d: {  	_ =	shalt  }
0x3e: {  	_ =	shalt  }
0x3f: {  	_ =	shalt  }
0x40: {  	_ =	shalt  }
0x41: {  	_ =	shalt  }
0x42: {  	_ =	shalt  }
0x43: {  	_ =	shalt  }
0x44: {  	_ =	shalt  }
0x45: {  	_ =	shalt  }
0x46: {  	_ =	shalt  }
0x47: {  	_ =	shalt  }
0x48: {  	_ =	shalt  }
0x49: {  	_ =	shalt  }
0x4a: {  	_ =	shalt  }
0x4b: {  	_ =	shalt  }
0x4c: {  	_ =	shalt  }
0x4d: {  	_ =	shalt  }
0x4e: {  	_ =	shalt  }
0x4f: {  	_ =	shalt  }
0x50: {  	_ =	shalt  }
0x51: {  	_ =	shalt  }
0x52: {  	_ =	shalt  }
0x53: {  	_ =	shalt  }
0x54: {  	_ =	shalt  }
0x55: {  	_ =	shalt  }
0x56: {  	_ =	shalt  }
0x57: {  	_ =	shalt  }
0x58: {  	_ =	shalt  }
0x59: {  	_ =	shalt  }
0x5a: {  	_ =	shalt  }
0x5b: {  	_ =	shalt  }
0x5c: {  	_ =	shalt  }
0x5d: {  	_ =	shalt  }
0x5e: {  	_ =	shalt  }
0x5f: {  	_ =	shalt  }
0x60: {  	_ =	shalt  }
0x61: {  	_ =	shalt  }
0x62: {  	_ =	shalt  }
0x63: {  	_ =	shalt  }
0x64: {  	_ =	shalt  }
0x65: {  	_ =	shalt  }
0x66: {  	_ =	shalt  }
0x67: {  	_ =	shalt  }
0x68: {  	_ =	shalt  }
0x69: {  	_ =	shalt  }
0x6a: {  	_ =	shalt  }
0x6b: {  	_ =	shalt  }
0x6c: {  	_ =	shalt  }
0x6d: {  	_ =	shalt  }
0x6e: {  	_ =	shalt  }
0x6f: {  	_ =	shalt  }
0x70: {  	_ =	shalt  }
0x71: {  	_ =	shalt  }
0x72: {  	_ =	shalt  }
0x73: {  	_ =	shalt  }
0x74: {  	_ =	shalt  }
0x75: {  	_ =	shalt  }
0x76: {  	_ =	shalt  }
0x77: {  	_ =	shalt  }
0x78: {  	_ =	shalt  }
0x79: {  	_ =	shalt  }
0x7a: {  	_ =	shalt  }
0x7b: {  	_ =	shalt  }
0x7c: {  	_ =	shalt  }
0x7d: {  	_ =	shalt  }
0x7e: {  	_ =	shalt  }
0x7f: {  	_ =	shalt  }
0x80: {  	_ =	shalt  }
0x81: {  	_ =	shalt  }
0x82: {  	_ =	shalt  }
0x83: {  	_ =	shalt  }
0x84: {  	_ =	shalt  }
0x85: {  	_ =	shalt  }
0x86: {  	_ =	shalt  }
0x87: {  	_ =	shalt  }
.Lfunc_end0:
.L_simem_size_0:
called_computation_lowered:
.L_overlay_start_0:
0x88: {  	s2 =	sld [smem:$0x3FD9]  }
0x89: {  	s3 =	sld [smem:$0x3FFE];
	_ =	sdelay $0x1  }
0x8a: {  	s1 =	srdreg.scid  }
0x8b: {  	s0 =	sand.u32 $0x1, s1  }
0x8c: {  	s17 =	sshll.u32 s0, $0xA;
	s2 =	sadd.s32 s3, s2  }
0x8d: {  	s2 =	sadd.s32 s2, s17  }
0x8e: {  	[smem:$0x3FC6] =	sst s2  }
0x8f: {  	_ = 	snop  }
0x90: {  	s2 =	sld [smem:$0x3FD0];
	(tm) =	ssettm $0x1  }
0x91: {  	s18 =	sld [smem:$0x3FFB];
	_ =	sdelay $0x3  }
0x92: {  	_ =	strace s18  }
0x93: {  	s3 =	sld [smem:$0x3FFC];
	_ =	sdelay $0x3  }
0x94: {  	_ =	strace s3  }
0x95: {  	s3 =	sld [smem:$0x3FFD];
	_ =	sdelay $0x3  }
0x96: {  	_ =	strace s3  }
0x97: {  	_ =	strace $0x8FFFFFFF  }
0x98: {  	s19 =	sld [smem:$0x3FDB];
	_ =	sdelay $0x1  }
0x99: {  	s4 =	simm.s32 $_scs_section_size  }
0x9a: {  	s5 =	simm.s32 $_size__tile_overlayer_lowered;
	s6 =	simm.s32 $_tile_overlayer_lowered  }
0x9b: {  	s22 =	simm.s32 $0x1BFF;
	s21 =	sshll.u32 s6, $0x1;
	s3 =	sadd.s32 s4, s19  }
0x9c: {  	s7 =	simm.s32 $0x0;
	s20 =	sshll.u32 s5, $0x1;
	s5 =	sadd.s32 s21, s3  }
0x9d: {  	[timem:s7], [sflag:s22] =	dma.local [hbm:s5], s20  }
0x9e: {  	_ =	swait.ge [sflag:s22], s20  }
0x9f: {  	s4 =	ssub.s32 $0x0, s20;
	[sflag:s22] =	ssyncset.done $0x0  }
0xa0: {  	[sflag:s22] =	ssyncadd.s32 s4;
	_ =	sdelay $0x1  }
0xa1: {  	s23 =	simm.s32 $0x1B8B  }
0xa2: {  	_ =	swait.ge [sflag:s23], $0x1  }
0xa3: {  	[sflag:s23] =	ssyncset.done $0x0  }
0xa4: {  	s25 =	simm.s32 $0x1B8E;
	s24 =	sld [smem:$0x3FFE];
	[sflag:s23] =	ssyncadd.s32 $0xFFFFFFFF  }
0xa5: {  	s26 =	simm.s32 $execute0_lowered;
	[smem:$0x3FD2] =	sst s25  }
0xa6: {  	s5 =	sshll.u32 s26, $0x1;
	_ =	strace $0x80000046;
	[dreg:$0x1] =	wrdreg $0xFFFFFFFF  }
0xa7: {  	s28 =	simm.s32 $_size_execute0_lowered;
	s3 =	sadd.s32 s3, s5;
	[dreg:$0x0] =	wrdreg $0x0  }
0xa8: {  	s5 =	sshll.u32 s28, $0x1;
	[dreg:$0x2] =	wrdreg s3  }
0xa9: {  	[dreg:$0x3] =	wrdreg s5  }
0xaa: {  	[dreg:$0x4] =	wrdreg $0xC0  }
0xab: {  	_ =	task [dreg:s7], $0x5FFFF  }
0xac: {  	[dreg:$0x1] =	wrdreg $0xFFFFFFFF  }
0xad: {  	[dreg:$0x0] =	wrdreg $0x60  }
0xae: {  	[dreg:$0x2] =	wrdreg s24  }
0xaf: {  	[dreg:$0x3] =	wrdreg s2  }
0xb0: {  	[dreg:$0x4] =	wrdreg $0x9  }
0xb1: {  	_ =	task.clear_ibuf [dreg:s7], $0x5FFFF;
	_ =	strace $0x90000046  }
0xb2: {  	s29 =	simm.s32 $0x9;
	_ =	strace $0x80000048  }
0xb3: {  	_ =	swait.ge [sflag:s29], $0x1  }
0xb4: {  	[sflag:s29] =	ssyncadd.s32 $0xFFFFFFFF  }
0xb5: {  	_ =	strace $0x90000048  }
0xb6: {  	_ =	sfence  }
0xb7: {  	s30 =	sld [smem:$0x0];
	_ =	sdelay $0x2  }
0xb8: {  	s31 =	sshll.u32 s1, $0xD;
	s1 =	sshrl.u32 s1, $0x2  }
0xb9: {  	s3 =	sand.u32 $0x4000, s31;
	s1 =	sadd.s32 s1, s30  }
0xba: {  	s0 =	sor.u32 s3, s0;
	s1 =	sshll.u32 s1, $0x11  }
0xbb: {  	s0 =	sor.u32 s1, s0  }
0xbc: {  	s0 =	sadd.s32 $0x8F2B, s0  }
0xbd: {  	[sflag:s0] =	ssyncadd.remote.s32 $0x1  }
0xbe: {  	_ =	sfence.sel $0xFFFF  }
0xbf: {  	[dreg:$0x0] =	wrdreg $0xFFFFFFFF;
	(pc) =	sbr.abs _section_cstart, $3  }
0xc0: {  	[dreg:$0x1] =	wrdreg $0xFFFFFFFF  }
0xc1: {  	_ =	task.clear_ibuf [dreg:s7], $0x2FFFF;
	_ =	strace $0x9FFFFFFF  }
0xc2: {  	(tm) =	ssettm $0x7FFFFFFF  }
0xc3: {  	_ =	shalt  }
tec
execute0_lowered:
.L_overlay_start_1:
0x0: {  	(tag) =	ssettag $0x1  }
0x1: {  	s0 =	rddreg [dreg:$0x0]  }
0x2: {  	s2 =	rddreg [dreg:$0x1]  }
0x3: {  	s1 =	srdreg.scid;
	s4 =	stileid.u32;
	v0 =	vimm.s32 $0x14B8;
	vm0 =	vcmask $0x300;
	v1 =	vimm.s32 $0x36B8;
	s3 =	simm.s32 $0x0  }
0x4: {  	vm1 =	vcmask $0x704;
	s14 =	simm.s32 $0x5;
	s15 =	simm.s32 $0x200;
	s16 =	simm.s32 $0x400;
	v0 =	vsel vm0, $0x0, v0;
	v1 =	vsel vm0, $0x2200, v1  }
0x5: {  	vm15 =	vcmask $0xB08;
	s17 =	simm.s32 $0x4400;
	s18 =	simm.s32 $0x1;
	s19 =	simm.s32 $0x8400;
	v0 =	vsel vm1, $0x88, v0;
	v1 =	vsel vm1, $0x2288, v1  }
0x6: {  	vm4 =	vcmask $0xF0C;
	s20 =	simm.s32 $0x2;
	s21 =	simm.s32 $0xC800;
	s22 =	simm.s32 $0x3;
	v0 =	vsel vm15, $0x110, v0;
	v1 =	vsel vm15, $0x2310, v1  }
0x7: {  	vm5 =	vcmask $0x1310;
	s23 =	simm.s32 $0x4;
	s1 =	sand.u32 $0x1, s1;
	s4 =	sshll.u32 s4, $0x1;
	v0 =	vsel vm4, $0x198, v0;
	v1 =	vsel vm4, $0x2398, v1  }
0x8: {  	vm6 =	vcmask $0x1714;
	[smem:$0x7FF] =	sst s3;
	s5 =	sadd.s32 $0x600, s0;
	s7 =	sor.u32 s1, s4;
	v0 =	vsel vm5, $0x220, v0;
	v1 =	vsel vm5, $0x2420, v1  }
0x9: {  	vm7 =	vcmask $0x1B18;
	s6 =	sadd.s32 $0xF42A00, s0;
	s1 =	ssub.s32 $0x2, s1;
	s4 =	smul.u32 $0x6400, s7;
	v0 =	vsel vm6, $0x2A8, v0;
	v1 =	vsel vm6, $0x24A8, v1  }
0xa: {  	vm8 =	vcmask $0x1F1C;
	_ =	strace $0x80000047;
	s24 =	sshrl.u32 s1, $0x1;
	s9 =	smul.u32 $0xC8000, s7;
	v0 =	vsel vm7, $0x330, v0;
	v1 =	vsel vm7, $0x2530, v1  }
0xb: {  	vm9 =	vcmask $0x2320;
	s28 =	sshll.u32 s7, $0xD;
	s0 =	ssub.s32 s1, s24;
	s24 =	simm.s32 $0x0;
	v0 =	vsel vm8, $0x3B8, v0;
	v1 =	vsel vm8, $0x25B8, v1  }
0xc: {  	vm10 =	vcmask $0x2724;
	s25 =	sshrl.u32 s4, $0x3;
	s8 =	sor.u32 $0x200, s4;
	s30 =	sand.u32 $0x1FE0000, s9;
	v0 =	vsel vm9, $0x1100, v0;
	v1 =	vsel vm9, $0x3300, v1  }
0xd: {  	vm11 =	vcmask $0x2B28;
	s9 =	sadd.s32 $0x400, s4;
	s1 =	sadd.s32 s5, s25;
	s26 =	sshrl.u32 s8, $0x3;
	v0 =	vsel vm10, $0x1188, v0;
	v1 =	vsel vm10, $0x3388, v1  }
0xe: {  	vm12 =	vcmask $0x2F2C;
	s29 =	sshll.u32 s8, $0x3;
	[dreg:$0x3] =	wrdreg s1;
	s1 =	sadd.s32 s5, s26;
	v0 =	vsel vm11, $0x1210, v0;
	v1 =	vsel vm11, $0x3410, v1  }
0xf: {  	vm13 =	vcmask $0x3330;
	s7 =	sand.u32 $0x7000, s29;
	[dreg:$0x4] =	wrdreg s1;
	s1 =	sand.u32 $0x6000, s28;
	v0 =	vsel vm12, $0x1298, v0;
	v1 =	vsel vm12, $0x3498, v1  }
0x10: {  	vm14 =	vcmask $0x3734;
	s13 =	smax.u32 s0, $0x1;
	s7 =	sor.u32 s30, s7;
	s1 =	sor.u32 s1, s30;
	v0 =	vsel vm13, $0x1320, v0;
	v1 =	vsel vm13, $0x3520, v1  }
0x11: {  	vm15 =	vcmask $0x3B38;
	s31 =	sshrl.u32 s9, $0x3;
	s7 =	sshrl.u32 s7, $0x3;
	s1 =	sshrl.u32 s1, $0x3;
	v0 =	vsel vm14, $0x13A8, v0;
	v1 =	vsel vm14, $0x35A8, v1  }
0x12: {  	s11 =	sadd.s32 s5, s31;
	s12 =	sadd.s32 s2, s7;
	s10 =	sadd.s32 s2, s1;
	v0 =	vsel vm15, $0x1430, v0;
	v1 =	vsel vm15, $0x3630, v1  }
.LBB2_1:
0x13: {  	s0 =	rddreg [dreg:$0x3]  }
0x14: {  	[tilespmem:s3], [sflag:$0x5] =	stream.linear.gather [hbm4b:s0+s3], $0x200, $0x38;
	[tilespmem:$0x10C00] =	vst v63  }
0x15: {  	_ =	swait.ge [sflag:s14], $0x200  }
0x16: {  	[sflag:s14] =	ssyncset.done $0x0  }
0x17: {  	[sflag:s14] =	ssyncadd.s32 $0xFFFFFE00  }
0x18: {  	[tilespmem:s16], [sflag:$0x1] =	stream.indirect.gather [hbm4b:s6+s15], $0x20, s3, s15, $0xb8;
	[tilespmem:$0x10C00] =	vst v63  }
0x19: {  	s26 =	simm.s32 $0x0;
	s25 =	rddreg [dreg:$0x4]  }
0x1a: {  	[tilespmem:s15], [sflag:$0x5] =	stream.linear.gather [hbm4b:s25+s3], $0x200, $0x38;
	[tilespmem:$0x10C00] =	vst v63  }
0x1b: {  	v2 =	vmov s26;
	_ =	swait.ge [sflag:s14], $0x200  }
0x1c: {  	v2 =	vmul.u32 $0x440, v2;
	[sflag:s14] =	ssyncset.done $0x0  }
0x1d: {  	[sflag:s14] =	ssyncadd.s32 $0xFFFFFE00  }
0x1e: {  	v2 =	vbroadcast v2, $0x0;
	[tilespmem:s17], [sflag:$0x2] =	stream.indirect.gather [hbm4b:s6+s15], $0x20, s15, s15, $0xb8;
	[tilespmem:$0x10C00] =	vst v63  }
0x1f: {  	v3 =	vmov s3;
	_ =	swait.ge [sflag:s18], $0x4000  }
0x20: {  	v4 =	vand.u32 $0x78, v3;
	v5 =	vadd.s32 v0, v2;
	[sflag:s18] =	ssyncset.done $0x0  }
0x21: {  	v3 =	vand.u32 $0x4, v3;
	s25 =	simm.s32 $0x440;
	v6 =	vadd.s32 v4, v5;
	[sflag:s18] =	ssyncadd.s32 $0xFFFFC000  }
0x22: {  	v6 =	vor.u32 v3, v6;
	v7 =	vld [tilespmem:s25+$0xFFFFFFC0];
	_ =	sdelay $0x3  }
0x23: {  	v2 =	vadd.s32 v1, v2  }
0x24: {  	v4 =	vadd.s32 v4, v2;
	[tilespmem:v6+s19+$0x0] =	vst.idx.msk $0xffff, v7  }
0x25: {  	v3 =	vor.u32 v3, v4;
	v6 =	vld [tilespmem:s25+$0xFFFFFFD0];
	_ =	sdelay $0x1  }
0x26: {  	s29 =	simm.s32 $0x1  }
0x27: {  	v4 =	vmov s29  }
0x28: {  	v7 =	vand.u32 $0x78, v4  }
0x29: {  	[tilespmem:v3+s19+$0x0] =	vst.idx.msk $0xffff, v6;
	v3 =	vand.u32 $0x5, v4;
	v4 =	vadd.s32 v5, v7  }
0x2a: {  	v6 =	vld [tilespmem:s25+$0xFFFFFFE0];
	v4 =	vor.u32 v3, v4;
	_ =	sdelay $0x4  }
0x2b: {  	[tilespmem:v4+s19+$0x0] =	vst.idx.msk $0xffff, v6;
	v4 =	vadd.s32 v2, v7  }
0x2c: {  	v6 =	vld [tilespmem:s25+$0xFFFFFFF0];
	v3 =	vor.u32 v3, v4;
	_ =	sdelay $0x1  }
0x2d: {  	s30 =	simm.s32 $0x2  }
0x2e: {  	v4 =	vmov s30  }
0x2f: {  	v7 =	vand.u32 $0x78, v4  }
0x30: {  	[tilespmem:v3+s19+$0x0] =	vst.idx.msk $0xffff, v6;
	v3 =	vand.u32 $0x6, v4;
	v4 =	vadd.s32 v5, v7  }
0x31: {  	v6 =	vld [tilespmem:s25+$0x0];
	v4 =	vor.u32 v3, v4;
	_ =	sdelay $0x4  }
0x32: {  	[tilespmem:v4+s19+$0x0] =	vst.idx.msk $0xffff, v6;
	v4 =	vadd.s32 v2, v7  }
0x33: {  	v6 =	vld [tilespmem:s25+$0x10];
	v3 =	vor.u32 v3, v4;
	_ =	sdelay $0x1  }
0x34: {  	s31 =	simm.s32 $0x3  }
0x35: {  	v7 =	vmov s31  }
0x36: {  	v4 =	vand.u32 $0x78, v7  }
0x37: {  	[tilespmem:v3+s19+$0x0] =	vst.idx.msk $0xffff, v6;
	v3 =	vand.u32 $0x7, v7;
	v6 =	vadd.s32 v5, v4  }
0x38: {  	v5 =	vld [tilespmem:s25+$0x20];
	v6 =	vor.u32 v3, v6;
	_ =	sdelay $0x3  }
0x39: {  	s28 =	simm.s32 $0x2;
	s0 =	simm.s32 $0x0;
	s26 =	simm.s32 $0x0  }
.LBB2_2:
0x3a: {  	p0 =	sne.s32 s28, $0x7F;
	v7 =	vmov s0;
	[tilespmem:v6+s19+$0x0] =	vst.idx.msk $0xffff, v5;
	v2 =	vadd.s32 v2, v4  }
0x3b: {  	v4 =	vmul.u32 $0x440, v7;
	v5 =	vld [tilespmem:s25+$0x30];
	v2 =	vor.u32 v3, v2;
	_ =	sdelay $0x1  }
0x3c: {  	s26 =	sadd.s32 $0x4, s26;
	v3 =	vbroadcast v4, $0x0  }
0x3d: {  	v4 =	vmov s26  }
0x3e: {  	v6 =	vand.u32 $0x78, v4;
	v7 =	vadd.s32 v0, v3  }
0x3f: {  	s25 =	sadd.s32 $0x80, s25;
	v4 =	vand.u32 $0x4, v4;
	v8 =	vadd.s32 v6, v7;
	[tilespmem:v2+s19+$0x0] =	vst.idx.msk $0xffff, v5  }
0x40: {  	v5 =	vld [tilespmem:s25+$0xFFFFFFC0];
	v8 =	vor.u32 v4, v8;
	_ =	sdelay $0x3  }
0x41: {  	v2 =	vadd.s32 v1, v3  }
0x42: {  	v3 =	vadd.s32 v6, v2;
	[tilespmem:v8+s19+$0x0] =	vst.idx.msk $0xffff, v5  }
0x43: {  	v3 =	vor.u32 v4, v3;
	v5 =	vld [tilespmem:s25+$0xFFFFFFD0];
	_ =	sdelay $0x1  }
0x44: {  	s0 =	sadd.s32 $0x1, s26  }
0x45: {  	v4 =	vmov s0  }
0x46: {  	v6 =	vand.u32 $0x78, v4  }
0x47: {  	[tilespmem:v3+s19+$0x0] =	vst.idx.msk $0xffff, v5;
	v3 =	vand.u32 $0x5, v4;
	v4 =	vadd.s32 v7, v6  }
0x48: {  	v5 =	vld [tilespmem:s25+$0xFFFFFFE0];
	v4 =	vor.u32 v3, v4;
	_ =	sdelay $0x4  }
0x49: {  	[tilespmem:v4+s19+$0x0] =	vst.idx.msk $0xffff, v5;
	v4 =	vadd.s32 v2, v6  }
0x4a: {  	v5 =	vld [tilespmem:s25+$0xFFFFFFF0];
	v3 =	vor.u32 v3, v4;
	_ =	sdelay $0x1  }
0x4b: {  	s0 =	sadd.s32 $0x2, s26  }
0x4c: {  	v4 =	vmov s0  }
0x4d: {  	v6 =	vand.u32 $0x78, v4  }
0x4e: {  	[tilespmem:v3+s19+$0x0] =	vst.idx.msk $0xffff, v5;
	v3 =	vand.u32 $0x6, v4;
	v4 =	vadd.s32 v7, v6  }
0x4f: {  	v5 =	vld [tilespmem:s25+$0x0];
	v4 =	vor.u32 v3, v4;
	_ =	sdelay $0x4  }
0x50: {  	[tilespmem:v4+s19+$0x0] =	vst.idx.msk $0xffff, v5;
	v4 =	vadd.s32 v2, v6  }
0x51: {  	v5 =	vld [tilespmem:s25+$0x10];
	v3 =	vor.u32 v3, v4;
	_ =	sdelay $0x1  }
0x52: {  	s0 =	sadd.s32 $0x3, s26  }
0x53: {  	v6 =	vmov s0  }
0x54: {  	v4 =	vand.u32 $0x78, v6  }
0x55: {  	[tilespmem:v3+s19+$0x0] =	vst.idx.msk $0xffff, v5;
	v3 =	vand.u32 $0x7, v6;
	v6 =	vadd.s32 v7, v4  }
.Ltmp0:
0x56: {  	v5 =	vld [tilespmem:s25+$0x20];
	v6 =	vor.u32 v3, v6;
	(pc) =	sbr.rel @p0 .LBB2_2-.Ltmp0, $2  }
0x57: {  	_ =	sdelay $0x2  }
0x58: {  	s0 =	sshrl.u32 s28, $0x5;
	s28 =	sadd.s32 $0x1, s28  }
0x59: {  	_ =	sdelay $0x3  }
0x5a: {  	v7 =	vmov s0;
	[tilespmem:v6+s19+$0x0] =	vst.idx.msk $0xffff, v5;
	v2 =	vadd.s32 v2, v4  }
0x5b: {  	v48 =	vmul.u32 $0x440, v7;
	v5 =	vld [tilespmem:s25+$0x30];
	v2 =	vor.u32 v3, v2;
	_ =	sdelay $0x1  }
0x5c: {  	s30 =	sadd.s32 $0x4, s26;
	v3 =	vbroadcast v48, $0x0  }
0x5d: {  	v49 =	vmov s30  }
0x5e: {  	v50 =	vand.u32 $0x78, v49;
	v51 =	vadd.s32 v0, v3  }
0x5f: {  	s1 =	sadd.s32 $0x80, s25;
	v4 =	vand.u32 $0x4, v49;
	v8 =	vadd.s32 v50, v51;
	[tilespmem:v2+s19+$0x0] =	vst.idx.msk $0xffff, v5  }
0x60: {  	v2 =	vld [tilespmem:s1+$0xFFFFFFC0];
	v52 =	vor.u32 v4, v8;
	_ =	sdelay $0x3  }
0x61: {  	v3 =	vadd.s32 v1, v3  }
0x62: {  	[tilespmem:v52+s19+$0x0] =	vst.idx.msk $0xffff, v2;
	v2 =	vadd.s32 v50, v3  }
0x63: {  	v5 =	vld [tilespmem:s1+$0xFFFFFFD0];
	v2 =	vor.u32 v4, v2;
	_ =	sdelay $0x1  }
0x64: {  	s7 =	sadd.s32 $0x1, s30  }
0x65: {  	v53 =	vmov s7  }
0x66: {  	v54 =	vand.u32 $0x78, v53  }
0x67: {  	v55 =	vadd.s32 v51, v54;
	[tilespmem:v2+s19+$0x0] =	vst.idx.msk $0xffff, v5;
	v2 =	vand.u32 $0x5, v53  }
0x68: {  	v5 =	vld [tilespmem:s1+$0xFFFFFFE0];
	v4 =	vor.u32 v2, v55;
	_ =	sdelay $0x4  }
0x69: {  	v56 =	vadd.s32 v3, v54;
	[tilespmem:v4+s19+$0x0] =	vst.idx.msk $0xffff, v5  }
0x6a: {  	v2 =	vor.u32 v2, v56;
	v5 =	vld [tilespmem:s1+$0xFFFFFFF0];
	_ =	sdelay $0x1  }
0x6b: {  	s31 =	sadd.s32 $0x2, s30  }
0x6c: {  	v57 =	vmov s31  }
0x6d: {  	v58 =	vand.u32 $0x78, v57  }
0x6e: {  	v59 =	vadd.s32 v51, v58;
	[tilespmem:v2+s19+$0x0] =	vst.idx.msk $0xffff, v5;
	v2 =	vand.u32 $0x6, v57  }
0x6f: {  	v5 =	vld [tilespmem:s1+$0x0];
	v4 =	vor.u32 v2, v59;
	_ =	sdelay $0x4  }
0x70: {  	v60 =	vadd.s32 v3, v58;
	[tilespmem:v4+s19+$0x0] =	vst.idx.msk $0xffff, v5  }
0x71: {  	v2 =	vor.u32 v2, v60;
	v5 =	vld [tilespmem:s1+$0x10];
	_ =	sdelay $0x1  }
0x72: {  	s0 =	sadd.s32 $0x3, s30  }
0x73: {  	v61 =	vmov s0  }
0x74: {  	v62 =	vand.u32 $0x78, v61  }
0x75: {  	v63 =	vadd.s32 v51, v62;
	[tilespmem:v2+s19+$0x0] =	vst.idx.msk $0xffff, v5;
	v2 =	vand.u32 $0x7, v61  }
0x76: {  	v5 =	vld [tilespmem:s1+$0x20];
	v4 =	vor.u32 v2, v63;
	_ =	sdelay $0x4  }
0x77: {  	v3 =	vadd.s32 v3, v62;
	[tilespmem:v4+s19+$0x0] =	vst.idx.msk $0xffff, v5  }
0x78: {  	v2 =	vor.u32 v2, v3;
	v4 =	vld [tilespmem:s1+$0x30];
	_ =	sdelay $0x3  }
0x79: {  	s25 =	simm.s32 $0x10  }
0x7a: {  	s0 =	simm.s32 $0x8400;
	s7 =	sadd.s32 $0x0, s10;
	s1 =	simm.s32 $0x8488;
	[tilespmem:v2+s19+$0x0] =	vst.idx.msk $0xffff, v4  }
.LBB2_4:
0x7b: {  	[hbm4b:s7+s3] =	stream.linear.scatter [tilespmem:s0], [sflag:$0x3], $0x80, $0x38;
	[tilespmem:$0x10C00] =	vst v63  }
0x7c: {  	s7 =	smov.u32 s25;
	s0 =	smov.u32 s1;
	p0 =	sne.s32 s25, $0x1F0  }
.Ltmp1:
0x7d: {  	s25 =	sadd.s32 $0x10, s25;
	(pc) =	sbr.rel @p0 .LBB2_4-.Ltmp1, $2  }
0x7e: {  	_ =	sdelay $0x2  }
0x7f: {  	s1 =	sadd.s32 $0x88, s1;
	s7 =	sadd.s32 s7, s10  }
0x80: {  	[hbm4b:s7+s3] =	stream.linear.scatter [tilespmem:s0], [sflag:$0x3], $0x80, $0x38;
	[tilespmem:$0x10C00] =	vst v63  }
0x81: {  	s0 =	sadd.s32 $0x1000, s10;
	s25 =	simm.s32 $0x9500  }
0x82: {  	s26 =	simm.s32 $0x10;
	s1 =	simm.s32 $0x9588;
	s7 =	sadd.s32 $0x0, s0  }
.LBB2_6:
0x83: {  	[hbm4b:s7+s3] =	stream.linear.scatter [tilespmem:s25], [sflag:$0x3], $0x80, $0x38;
	[tilespmem:$0x10C00] =	vst v63  }
0x84: {  	s7 =	smov.u32 s26;
	s25 =	smov.u32 s1;
	p0 =	sne.s32 s26, $0x1F0  }
.Ltmp2:
0x85: {  	s26 =	sadd.s32 $0x10, s26;
	(pc) =	sbr.rel @p0 .LBB2_6-.Ltmp2, $2  }
0x86: {  	_ =	sdelay $0x2  }
0x87: {  	s1 =	sadd.s32 $0x88, s1;
	s7 =	sadd.s32 s7, s0  }
0x88: {  	[hbm4b:s7+s3] =	stream.linear.scatter [tilespmem:s25], [sflag:$0x3], $0x80, $0x38;
	[tilespmem:$0x10C00] =	vst v63  }
0x89: {  	s0 =	sadd.s32 $0x2000, s10;
	s25 =	simm.s32 $0xA600  }
0x8a: {  	s26 =	simm.s32 $0x10;
	s1 =	simm.s32 $0xA688;
	s7 =	sadd.s32 $0x0, s0  }
.LBB2_8:
0x8b: {  	[hbm4b:s7+s3] =	stream.linear.scatter [tilespmem:s25], [sflag:$0x3], $0x80, $0x38;
	[tilespmem:$0x10C00] =	vst v63  }
0x8c: {  	s7 =	smov.u32 s26;
	s25 =	smov.u32 s1;
	p0 =	sne.s32 s26, $0x1F0  }
.Ltmp3:
0x8d: {  	s26 =	sadd.s32 $0x10, s26;
	(pc) =	sbr.rel @p0 .LBB2_8-.Ltmp3, $2  }
0x8e: {  	_ =	sdelay $0x2  }
0x8f: {  	s1 =	sadd.s32 $0x88, s1;
	s7 =	sadd.s32 s7, s0  }
0x90: {  	[hbm4b:s7+s3] =	stream.linear.scatter [tilespmem:s25], [sflag:$0x3], $0x80, $0x38;
	[tilespmem:$0x10C00] =	vst v63  }
0x91: {  	s0 =	sadd.s32 $0x3000, s10;
	s25 =	simm.s32 $0xB700  }
0x92: {  	s26 =	simm.s32 $0x10;
	s1 =	simm.s32 $0xB788;
	s7 =	sadd.s32 $0x0, s0  }
.LBB2_10:
0x93: {  	[hbm4b:s7+s3] =	stream.linear.scatter [tilespmem:s25], [sflag:$0x3], $0x80, $0x38;
	[tilespmem:$0x10C00] =	vst v63  }
0x94: {  	s7 =	smov.u32 s26;
	s25 =	smov.u32 s1;
	p0 =	sne.s32 s26, $0x1F0  }
.Ltmp4:
0x95: {  	s26 =	sadd.s32 $0x10, s26;
	(pc) =	sbr.rel @p0 .LBB2_10-.Ltmp4, $2  }
0x96: {  	_ =	sdelay $0x2  }
0x97: {  	s1 =	sadd.s32 $0x88, s1;
	s7 =	sadd.s32 s7, s0  }
0x98: {  	[hbm4b:s7+s3] =	stream.linear.scatter [tilespmem:s25], [sflag:$0x3], $0x80, $0x38;
	[tilespmem:$0x10C00] =	vst v63  }
0x99: {  	s25 =	simm.s32 $0x0;
	s0 =	simm.s32 $0x0  }
0x9a: {  	[tilespmem:s25], [sflag:$0x5] =	stream.linear.gather [hbm4b:s11+s25], $0x200, $0x38;
	[tilespmem:$0x10C00] =	vst v63  }
0x9b: {  	v2 =	vmov s0;
	_ =	swait.ge [sflag:s14], $0x200  }
0x9c: {  	v2 =	vmul.u32 $0x440, v2;
	[sflag:s14] =	ssyncset.done $0x0  }
0x9d: {  	[sflag:s14] =	ssyncadd.s32 $0xFFFFFE00  }
0x9e: {  	v2 =	vbroadcast v2, $0x0;
	[tilespmem:s16], [sflag:$0x1] =	stream.indirect.gather [hbm4b:s6+s15], $0x20, s25, s15, $0xb8;
	[tilespmem:$0x10C00] =	vst v63  }
0x9f: {  	v3 =	vmov s25;
	_ =	swait.ge [sflag:s20], $0x4000  }
0xa0: {  	v4 =	vand.u32 $0x78, v3;
	v5 =	vadd.s32 v0, v2;
	[sflag:s20] =	ssyncset.done $0x0  }
0xa1: {  	s26 =	simm.s32 $0x4440;
	v3 =	vand.u32 $0x4, v3;
	v6 =	vadd.s32 v4, v5;
	[sflag:s20] =	ssyncadd.s32 $0xFFFFC000  }
0xa2: {  	v6 =	vor.u32 v3, v6;
	v7 =	vld [tilespmem:s26+$0xFFFFFFC0];
	_ =	sdelay $0x3  }
0xa3: {  	v2 =	vadd.s32 v1, v2  }
0xa4: {  	v4 =	vadd.s32 v4, v2;
	[tilespmem:v6+s21+$0x0] =	vst.idx.msk $0xffff, v7  }
0xa5: {  	v3 =	vor.u32 v3, v4;
	v6 =	vld [tilespmem:s26+$0xFFFFFFD0];
	_ =	sdelay $0x1  }
0xa6: {  	s29 =	simm.s32 $0x1  }
0xa7: {  	v4 =	vmov s29  }
0xa8: {  	v7 =	vand.u32 $0x78, v4  }
0xa9: {  	[tilespmem:v3+s21+$0x0] =	vst.idx.msk $0xffff, v6;
	v3 =	vand.u32 $0x5, v4;
	v4 =	vadd.s32 v5, v7  }
0xaa: {  	v6 =	vld [tilespmem:s26+$0xFFFFFFE0];
	v4 =	vor.u32 v3, v4;
	_ =	sdelay $0x4  }
0xab: {  	[tilespmem:v4+s21+$0x0] =	vst.idx.msk $0xffff, v6;
	v4 =	vadd.s32 v2, v7  }
0xac: {  	v6 =	vld [tilespmem:s26+$0xFFFFFFF0];
	v3 =	vor.u32 v3, v4;
	_ =	sdelay $0x1  }
0xad: {  	s30 =	simm.s32 $0x2  }
0xae: {  	v4 =	vmov s30  }
0xaf: {  	v7 =	vand.u32 $0x78, v4  }
0xb0: {  	[tilespmem:v3+s21+$0x0] =	vst.idx.msk $0xffff, v6;
	v3 =	vand.u32 $0x6, v4;
	v4 =	vadd.s32 v5, v7  }
0xb1: {  	v6 =	vld [tilespmem:s26+$0x0];
	v4 =	vor.u32 v3, v4;
	_ =	sdelay $0x4  }
0xb2: {  	[tilespmem:v4+s21+$0x0] =	vst.idx.msk $0xffff, v6;
	v4 =	vadd.s32 v2, v7  }
0xb3: {  	v6 =	vld [tilespmem:s26+$0x10];
	v3 =	vor.u32 v3, v4;
	_ =	sdelay $0x1  }
0xb4: {  	s31 =	simm.s32 $0x3  }
0xb5: {  	v7 =	vmov s31  }
0xb6: {  	v4 =	vand.u32 $0x78, v7  }
0xb7: {  	[tilespmem:v3+s21+$0x0] =	vst.idx.msk $0xffff, v6;
	v3 =	vand.u32 $0x7, v7;
	v6 =	vadd.s32 v5, v4  }
0xb8: {  	v5 =	vld [tilespmem:s26+$0x20];
	v6 =	vor.u32 v3, v6;
	_ =	sdelay $0x3  }
0xb9: {  	s28 =	simm.s32 $0x2;
	s0 =	simm.s32 $0x0  }
.LBB2_12:
0xba: {  	p0 =	sne.s32 s28, $0x7F;
	v7 =	vmov s0;
	[tilespmem:v6+s21+$0x0] =	vst.idx.msk $0xffff, v5;
	v2 =	vadd.s32 v2, v4  }
0xbb: {  	v4 =	vmul.u32 $0x440, v7;
	v5 =	vld [tilespmem:s26+$0x30];
	v2 =	vor.u32 v3, v2;
	_ =	sdelay $0x1  }
0xbc: {  	s25 =	sadd.s32 $0x4, s25;
	v3 =	vbroadcast v4, $0x0  }
0xbd: {  	v4 =	vmov s25  }
0xbe: {  	v6 =	vand.u32 $0x78, v4;
	v7 =	vadd.s32 v0, v3  }
0xbf: {  	s26 =	sadd.s32 $0x80, s26;
	v4 =	vand.u32 $0x4, v4;
	v8 =	vadd.s32 v6, v7;
	[tilespmem:v2+s21+$0x0] =	vst.idx.msk $0xffff, v5  }
0xc0: {  	v5 =	vld [tilespmem:s26+$0xFFFFFFC0];
	v8 =	vor.u32 v4, v8;
	_ =	sdelay $0x3  }
0xc1: {  	v2 =	vadd.s32 v1, v3  }
0xc2: {  	v3 =	vadd.s32 v6, v2;
	[tilespmem:v8+s21+$0x0] =	vst.idx.msk $0xffff, v5  }
0xc3: {  	v3 =	vor.u32 v4, v3;
	v5 =	vld [tilespmem:s26+$0xFFFFFFD0];
	_ =	sdelay $0x1  }
0xc4: {  	s0 =	sadd.s32 $0x1, s25  }
0xc5: {  	v4 =	vmov s0  }
0xc6: {  	v6 =	vand.u32 $0x78, v4  }
0xc7: {  	[tilespmem:v3+s21+$0x0] =	vst.idx.msk $0xffff, v5;
	v3 =	vand.u32 $0x5, v4;
	v4 =	vadd.s32 v7, v6  }
0xc8: {  	v5 =	vld [tilespmem:s26+$0xFFFFFFE0];
	v4 =	vor.u32 v3, v4;
	_ =	sdelay $0x4  }
0xc9: {  	[tilespmem:v4+s21+$0x0] =	vst.idx.msk $0xffff, v5;
	v4 =	vadd.s32 v2, v6  }
0xca: {  	v5 =	vld [tilespmem:s26+$0xFFFFFFF0];
	v3 =	vor.u32 v3, v4;
	_ =	sdelay $0x1  }
0xcb: {  	s0 =	sadd.s32 $0x2, s25  }
0xcc: {  	v4 =	vmov s0  }
0xcd: {  	v6 =	vand.u32 $0x78, v4  }
0xce: {  	[tilespmem:v3+s21+$0x0] =	vst.idx.msk $0xffff, v5;
	v3 =	vand.u32 $0x6, v4;
	v4 =	vadd.s32 v7, v6  }
0xcf: {  	v5 =	vld [tilespmem:s26+$0x0];
	v4 =	vor.u32 v3, v4;
	_ =	sdelay $0x4  }
0xd0: {  	[tilespmem:v4+s21+$0x0] =	vst.idx.msk $0xffff, v5;
	v4 =	vadd.s32 v2, v6  }
0xd1: {  	v5 =	vld [tilespmem:s26+$0x10];
	v3 =	vor.u32 v3, v4;
	_ =	sdelay $0x1  }
0xd2: {  	s0 =	sadd.s32 $0x3, s25  }
0xd3: {  	v6 =	vmov s0  }
0xd4: {  	v4 =	vand.u32 $0x78, v6  }
0xd5: {  	[tilespmem:v3+s21+$0x0] =	vst.idx.msk $0xffff, v5;
	v3 =	vand.u32 $0x7, v6;
	v6 =	vadd.s32 v7, v4  }
.Ltmp5:
0xd6: {  	v5 =	vld [tilespmem:s26+$0x20];
	v6 =	vor.u32 v3, v6;
	(pc) =	sbr.rel @p0 .LBB2_12-.Ltmp5, $2  }
0xd7: {  	_ =	sdelay $0x2  }
0xd8: {  	s0 =	sshrl.u32 s28, $0x5;
	s28 =	sadd.s32 $0x1, s28  }
0xd9: {  	_ =	sdelay $0x3  }
0xda: {  	v7 =	vmov s0;
	[tilespmem:v6+s21+$0x0] =	vst.idx.msk $0xffff, v5;
	v2 =	vadd.s32 v2, v4  }
0xdb: {  	v48 =	vmul.u32 $0x440, v7;
	v5 =	vld [tilespmem:s26+$0x30];
	v2 =	vor.u32 v3, v2;
	_ =	sdelay $0x1  }
0xdc: {  	s30 =	sadd.s32 $0x4, s25;
	v3 =	vbroadcast v48, $0x0  }
0xdd: {  	v49 =	vmov s30  }
0xde: {  	v50 =	vand.u32 $0x78, v49;
	v51 =	vadd.s32 v0, v3  }
0xdf: {  	s1 =	sadd.s32 $0x80, s26;
	v4 =	vand.u32 $0x4, v49;
	v8 =	vadd.s32 v50, v51;
	[tilespmem:v2+s21+$0x0] =	vst.idx.msk $0xffff, v5  }
0xe0: {  	v2 =	vld [tilespmem:s1+$0xFFFFFFC0];
	v52 =	vor.u32 v4, v8;
	_ =	sdelay $0x3  }
0xe1: {  	v3 =	vadd.s32 v1, v3  }
0xe2: {  	[tilespmem:v52+s21+$0x0] =	vst.idx.msk $0xffff, v2;
	v2 =	vadd.s32 v50, v3  }
0xe3: {  	v5 =	vld [tilespmem:s1+$0xFFFFFFD0];
	v2 =	vor.u32 v4, v2;
	_ =	sdelay $0x1  }
0xe4: {  	s7 =	sadd.s32 $0x1, s30  }
0xe5: {  	v53 =	vmov s7  }
0xe6: {  	v54 =	vand.u32 $0x78, v53  }
0xe7: {  	v55 =	vadd.s32 v51, v54;
	[tilespmem:v2+s21+$0x0] =	vst.idx.msk $0xffff, v5;
	v2 =	vand.u32 $0x5, v53  }
0xe8: {  	v5 =	vld [tilespmem:s1+$0xFFFFFFE0];
	v4 =	vor.u32 v2, v55;
	_ =	sdelay $0x4  }
0xe9: {  	v56 =	vadd.s32 v3, v54;
	[tilespmem:v4+s21+$0x0] =	vst.idx.msk $0xffff, v5  }
0xea: {  	v2 =	vor.u32 v2, v56;
	v5 =	vld [tilespmem:s1+$0xFFFFFFF0];
	_ =	sdelay $0x1  }
0xeb: {  	s31 =	sadd.s32 $0x2, s30  }
0xec: {  	v57 =	vmov s31  }
0xed: {  	v58 =	vand.u32 $0x78, v57  }
0xee: {  	v59 =	vadd.s32 v51, v58;
	[tilespmem:v2+s21+$0x0] =	vst.idx.msk $0xffff, v5;
	v2 =	vand.u32 $0x6, v57  }
0xef: {  	v5 =	vld [tilespmem:s1+$0x0];
	v4 =	vor.u32 v2, v59;
	_ =	sdelay $0x4  }
0xf0: {  	v60 =	vadd.s32 v3, v58;
	[tilespmem:v4+s21+$0x0] =	vst.idx.msk $0xffff, v5  }
0xf1: {  	v2 =	vor.u32 v2, v60;
	v5 =	vld [tilespmem:s1+$0x10];
	_ =	sdelay $0x1  }
0xf2: {  	s0 =	sadd.s32 $0x3, s30  }
0xf3: {  	v61 =	vmov s0  }
0xf4: {  	v62 =	vand.u32 $0x78, v61  }
0xf5: {  	v63 =	vadd.s32 v51, v62;
	[tilespmem:v2+s21+$0x0] =	vst.idx.msk $0xffff, v5;
	v2 =	vand.u32 $0x7, v61  }
0xf6: {  	v5 =	vld [tilespmem:s1+$0x20];
	v4 =	vor.u32 v2, v63;
	_ =	sdelay $0x4  }
0xf7: {  	v3 =	vadd.s32 v3, v62;
	[tilespmem:v4+s21+$0x0] =	vst.idx.msk $0xffff, v5  }
0xf8: {  	v2 =	vor.u32 v2, v3;
	v4 =	vld [tilespmem:s1+$0x30];
	_ =	sdelay $0x3  }
0xf9: {  	s25 =	simm.s32 $0x10  }
0xfa: {  	s0 =	simm.s32 $0xC800;
	s7 =	sadd.s32 $0x0, s12;
	s1 =	simm.s32 $0xC888;
	[tilespmem:v2+s21+$0x0] =	vst.idx.msk $0xffff, v4  }
.LBB2_14:
0xfb: {  	[hbm4b:s7+s3] =	stream.linear.scatter [tilespmem:s0], [sflag:$0x4], $0x80, $0x38;
	[tilespmem:$0x10C00] =	vst v63  }
0xfc: {  	s7 =	smov.u32 s25;
	s0 =	smov.u32 s1;
	p0 =	sne.s32 s25, $0x1F0  }
.Ltmp6:
0xfd: {  	s25 =	sadd.s32 $0x10, s25;
	(pc) =	sbr.rel @p0 .LBB2_14-.Ltmp6, $2  }
0xfe: {  	_ =	sdelay $0x2  }
0xff: {  	s1 =	sadd.s32 $0x88, s1;
	s7 =	sadd.s32 s7, s12  }
0x100: {  	[hbm4b:s7+s3] =	stream.linear.scatter [tilespmem:s0], [sflag:$0x4], $0x80, $0x38;
	[tilespmem:$0x10C00] =	vst v63  }
0x101: {  	s0 =	sadd.s32 $0x1000, s12;
	s25 =	simm.s32 $0xD900  }
0x102: {  	s26 =	simm.s32 $0x10;
	s1 =	simm.s32 $0xD988;
	s7 =	sadd.s32 $0x0, s0  }
.LBB2_16:
0x103: {  	[hbm4b:s7+s3] =	stream.linear.scatter [tilespmem:s25], [sflag:$0x4], $0x80, $0x38;
	[tilespmem:$0x10C00] =	vst v63  }
0x104: {  	s7 =	smov.u32 s26;
	s25 =	smov.u32 s1;
	p0 =	sne.s32 s26, $0x1F0  }
.Ltmp7:
0x105: {  	s26 =	sadd.s32 $0x10, s26;
	(pc) =	sbr.rel @p0 .LBB2_16-.Ltmp7, $2  }
0x106: {  	_ =	sdelay $0x2  }
0x107: {  	s1 =	sadd.s32 $0x88, s1;
	s7 =	sadd.s32 s7, s0  }
0x108: {  	[hbm4b:s7+s3] =	stream.linear.scatter [tilespmem:s25], [sflag:$0x4], $0x80, $0x38;
	[tilespmem:$0x10C00] =	vst v63  }
0x109: {  	s0 =	sadd.s32 $0x2000, s12;
	s25 =	simm.s32 $0xEA00  }
0x10a: {  	s26 =	simm.s32 $0x10;
	s1 =	simm.s32 $0xEA88;
	s7 =	sadd.s32 $0x0, s0  }
.LBB2_18:
0x10b: {  	[hbm4b:s7+s3] =	stream.linear.scatter [tilespmem:s25], [sflag:$0x4], $0x80, $0x38;
	[tilespmem:$0x10C00] =	vst v63  }
0x10c: {  	s7 =	smov.u32 s26;
	s25 =	smov.u32 s1;
	p0 =	sne.s32 s26, $0x1F0  }
.Ltmp8:
0x10d: {  	s26 =	sadd.s32 $0x10, s26;
	(pc) =	sbr.rel @p0 .LBB2_18-.Ltmp8, $2  }
0x10e: {  	_ =	sdelay $0x2  }
0x10f: {  	s1 =	sadd.s32 $0x88, s1;
	s7 =	sadd.s32 s7, s0  }
0x110: {  	[hbm4b:s7+s3] =	stream.linear.scatter [tilespmem:s25], [sflag:$0x4], $0x80, $0x38;
	[tilespmem:$0x10C00] =	vst v63  }
0x111: {  	s0 =	sadd.s32 $0x3000, s12;
	s28 =	simm.s32 $0x0;
	s25 =	simm.s32 $0xFB00  }
0x112: {  	s26 =	simm.s32 $0x10;
	s1 =	simm.s32 $0xFB88;
	s7 =	sadd.s32 $0x0, s0  }
.LBB2_20:
0x113: {  	[hbm4b:s7+s28] =	stream.linear.scatter [tilespmem:s25], [sflag:$0x4], $0x80, $0x38;
	[tilespmem:$0x10C00] =	vst v63  }
0x114: {  	s7 =	smov.u32 s26;
	s25 =	smov.u32 s1;
	p0 =	sne.s32 s26, $0x1F0  }
.Ltmp9:
0x115: {  	s26 =	sadd.s32 $0x10, s26;
	(pc) =	sbr.rel @p0 .LBB2_20-.Ltmp9, $2  }
0x116: {  	_ =	sdelay $0x2  }
0x117: {  	s1 =	sadd.s32 $0x88, s1;
	s7 =	sadd.s32 s7, s0  }
0x118: {  	[hbm4b:s7+s28] =	stream.linear.scatter [tilespmem:s25], [sflag:$0x4], $0x80, $0x38;
	[tilespmem:$0x10C00] =	vst v63  }
.LBB2_22:
0x119: {  	s25 =	sadd.s32 $0x1, s28  }
0x11a: {  	s29 =	sshll.u32 s25, $0xA  }
0x11b: {  	s0 =	sadd.s32 s29, s4  }
0x11c: {  	s26 =	sadd.s32 $0x200, s0  }
0x11d: {  	s0 =	sshrl.u32 s26, $0x3  }
0x11e: {  	s30 =	simm.s32 $0x0;
	s0 =	sadd.s32 s5, s0  }
0x11f: {  	[tilespmem:s15], [sflag:$0x5] =	stream.linear.gather [hbm4b:s0+s30], $0x200, $0x38;
	[tilespmem:$0x10C00] =	vst v63  }
0x120: {  	_ =	swait.ge [sflag:s14], $0x200  }
0x121: {  	[sflag:s14] =	ssyncset.done $0x0  }
0x122: {  	s8 =	simm.s32 $0x0;
	[sflag:s14] =	ssyncadd.s32 $0xFFFFFE00  }
0x123: {  	v2 =	vmov s8;
	[tilespmem:s17], [sflag:$0x2] =	stream.indirect.gather [hbm4b:s6+s15], $0x20, s15, s15, $0xb8;
	[tilespmem:$0x10C00] =	vst v63  }
0x124: {  	v2 =	vmul.u32 $0x440, v2;
	_ =	swait.ge [sflag:s18], $0x4000  }
0x125: {  	[sflag:s18] =	ssyncset.done $0x0  }
0x126: {  	v2 =	vbroadcast v2, $0x0;
	[sflag:s18] =	ssyncadd.s32 $0xFFFFC000  }
0x127: {  	v3 =	vmov s30;
	_ =	swait.ge [sflag:s22], $0x4000  }
0x128: {  	v4 =	vand.u32 $0x78, v3;
	v5 =	vadd.s32 v0, v2;
	[sflag:s22] =	ssyncset.done $0x0  }
0x129: {  	s31 =	simm.s32 $0x440;
	v3 =	vand.u32 $0x4, v3;
	v6 =	vadd.s32 v4, v5;
	[sflag:s22] =	ssyncadd.s32 $0xFFFFC000  }
0x12a: {  	v6 =	vor.u32 v3, v6;
	v7 =	vld [tilespmem:s31+$0xFFFFFFC0];
	_ =	sdelay $0x3  }
0x12b: {  	v2 =	vadd.s32 v1, v2  }
0x12c: {  	v4 =	vadd.s32 v4, v2;
	[tilespmem:v6+s19+$0x0] =	vst.idx.msk $0xffff, v7  }
0x12d: {  	v3 =	vor.u32 v3, v4;
	v6 =	vld [tilespmem:s31+$0xFFFFFFD0];
	_ =	sdelay $0x1  }
0x12e: {  	s1 =	simm.s32 $0x1  }
0x12f: {  	v4 =	vmov s1  }
0x130: {  	v7 =	vand.u32 $0x78, v4  }
0x131: {  	[tilespmem:v3+s19+$0x0] =	vst.idx.msk $0xffff, v6;
	v3 =	vand.u32 $0x5, v4;
	v4 =	vadd.s32 v5, v7  }
0x132: {  	v6 =	vld [tilespmem:s31+$0xFFFFFFE0];
	v4 =	vor.u32 v3, v4;
	_ =	sdelay $0x4  }
0x133: {  	[tilespmem:v4+s19+$0x0] =	vst.idx.msk $0xffff, v6;
	v4 =	vadd.s32 v2, v7  }
0x134: {  	v6 =	vld [tilespmem:s31+$0xFFFFFFF0];
	v3 =	vor.u32 v3, v4;
	_ =	sdelay $0x1  }
0x135: {  	s7 =	simm.s32 $0x2  }
0x136: {  	v4 =	vmov s7  }
0x137: {  	v7 =	vand.u32 $0x78, v4  }
0x138: {  	[tilespmem:v3+s19+$0x0] =	vst.idx.msk $0xffff, v6;
	v3 =	vand.u32 $0x6, v4;
	v4 =	vadd.s32 v5, v7  }
0x139: {  	v6 =	vld [tilespmem:s31+$0x0];
	v4 =	vor.u32 v3, v4;
	_ =	sdelay $0x4  }
0x13a: {  	[tilespmem:v4+s19+$0x0] =	vst.idx.msk $0xffff, v6;
	v4 =	vadd.s32 v2, v7  }
0x13b: {  	v6 =	vld [tilespmem:s31+$0x10];
	v3 =	vor.u32 v3, v4;
	_ =	sdelay $0x1  }
0x13c: {  	s8 =	simm.s32 $0x3  }
0x13d: {  	v7 =	vmov s8  }
0x13e: {  	v4 =	vand.u32 $0x78, v7  }
0x13f: {  	[tilespmem:v3+s19+$0x0] =	vst.idx.msk $0xffff, v6;
	v3 =	vand.u32 $0x7, v7;
	v6 =	vadd.s32 v5, v4  }
0x140: {  	v5 =	vld [tilespmem:s31+$0x20];
	v6 =	vor.u32 v3, v6;
	_ =	sdelay $0x3  }
0x141: {  	s0 =	simm.s32 $0x2;
	s1 =	simm.s32 $0x0  }
.LBB2_23:
0x142: {  	p0 =	sne.s32 s0, $0x7F;
	v7 =	vmov s1;
	[tilespmem:v6+s19+$0x0] =	vst.idx.msk $0xffff, v5;
	v2 =	vadd.s32 v2, v4  }
0x143: {  	v4 =	vmul.u32 $0x440, v7;
	v5 =	vld [tilespmem:s31+$0x30];
	v2 =	vor.u32 v3, v2;
	_ =	sdelay $0x1  }
0x144: {  	s30 =	sadd.s32 $0x4, s30;
	v3 =	vbroadcast v4, $0x0  }
0x145: {  	v4 =	vmov s30  }
0x146: {  	v6 =	vand.u32 $0x78, v4;
	v7 =	vadd.s32 v0, v3  }
0x147: {  	s31 =	sadd.s32 $0x80, s31;
	v4 =	vand.u32 $0x4, v4;
	v8 =	vadd.s32 v6, v7;
	[tilespmem:v2+s19+$0x0] =	vst.idx.msk $0xffff, v5  }
0x148: {  	v5 =	vld [tilespmem:s31+$0xFFFFFFC0];
	v8 =	vor.u32 v4, v8;
	_ =	sdelay $0x3  }
0x149: {  	v2 =	vadd.s32 v1, v3  }
0x14a: {  	v3 =	vadd.s32 v6, v2;
	[tilespmem:v8+s19+$0x0] =	vst.idx.msk $0xffff, v5  }
0x14b: {  	v3 =	vor.u32 v4, v3;
	v5 =	vld [tilespmem:s31+$0xFFFFFFD0];
	_ =	sdelay $0x1  }
0x14c: {  	s1 =	sadd.s32 $0x1, s30  }
0x14d: {  	v4 =	vmov s1  }
0x14e: {  	v6 =	vand.u32 $0x78, v4  }
0x14f: {  	[tilespmem:v3+s19+$0x0] =	vst.idx.msk $0xffff, v5;
	v3 =	vand.u32 $0x5, v4;
	v4 =	vadd.s32 v7, v6  }
0x150: {  	v5 =	vld [tilespmem:s31+$0xFFFFFFE0];
	v4 =	vor.u32 v3, v4;
	_ =	sdelay $0x4  }
0x151: {  	[tilespmem:v4+s19+$0x0] =	vst.idx.msk $0xffff, v5;
	v4 =	vadd.s32 v2, v6  }
0x152: {  	v5 =	vld [tilespmem:s31+$0xFFFFFFF0];
	v3 =	vor.u32 v3, v4;
	_ =	sdelay $0x1  }
0x153: {  	s1 =	sadd.s32 $0x2, s30  }
0x154: {  	v4 =	vmov s1  }
0x155: {  	v6 =	vand.u32 $0x78, v4  }
0x156: {  	[tilespmem:v3+s19+$0x0] =	vst.idx.msk $0xffff, v5;
	v3 =	vand.u32 $0x6, v4;
	v4 =	vadd.s32 v7, v6  }
0x157: {  	v5 =	vld [tilespmem:s31+$0x0];
	v4 =	vor.u32 v3, v4;
	_ =	sdelay $0x4  }
0x158: {  	[tilespmem:v4+s19+$0x0] =	vst.idx.msk $0xffff, v5;
	v4 =	vadd.s32 v2, v6  }
0x159: {  	v5 =	vld [tilespmem:s31+$0x10];
	v3 =	vor.u32 v3, v4;
	_ =	sdelay $0x1  }
0x15a: {  	s1 =	sadd.s32 $0x3, s30  }
0x15b: {  	v6 =	vmov s1  }
0x15c: {  	v4 =	vand.u32 $0x78, v6  }
0x15d: {  	[tilespmem:v3+s19+$0x0] =	vst.idx.msk $0xffff, v5;
	v3 =	vand.u32 $0x7, v6;
	v6 =	vadd.s32 v7, v4  }
.Ltmp10:
0x15e: {  	v5 =	vld [tilespmem:s31+$0x20];
	v6 =	vor.u32 v3, v6;
	(pc) =	sbr.rel @p0 .LBB2_23-.Ltmp10, $2  }
0x15f: {  	_ =	sdelay $0x2  }
0x160: {  	s1 =	sshrl.u32 s0, $0x5;
	s0 =	sadd.s32 $0x1, s0  }
0x161: {  	_ =	sdelay $0x3  }
0x162: {  	v7 =	vmov s1;
	[tilespmem:v6+s19+$0x0] =	vst.idx.msk $0xffff, v5;
	v2 =	vadd.s32 v2, v4  }
0x163: {  	v48 =	vmul.u32 $0x440, v7;
	v5 =	vld [tilespmem:s31+$0x30];
	v2 =	vor.u32 v3, v2;
	_ =	sdelay $0x1  }
0x164: {  	s0 =	sadd.s32 $0x4, s30;
	v3 =	vbroadcast v48, $0x0  }
0x165: {  	v49 =	vmov s0  }
0x166: {  	v50 =	vand.u32 $0x78, v49;
	v51 =	vadd.s32 v0, v3  }
0x167: {  	s1 =	sadd.s32 $0x80, s31;
	v4 =	vand.u32 $0x4, v49;
	v8 =	vadd.s32 v50, v51;
	[tilespmem:v2+s19+$0x0] =	vst.idx.msk $0xffff, v5  }
0x168: {  	v2 =	vld [tilespmem:s1+$0xFFFFFFC0];
	v52 =	vor.u32 v4, v8;
	_ =	sdelay $0x3  }
0x169: {  	v3 =	vadd.s32 v1, v3  }
0x16a: {  	[tilespmem:v52+s19+$0x0] =	vst.idx.msk $0xffff, v2;
	v2 =	vadd.s32 v50, v3  }
0x16b: {  	v5 =	vld [tilespmem:s1+$0xFFFFFFD0];
	v2 =	vor.u32 v4, v2;
	_ =	sdelay $0x1  }
0x16c: {  	s7 =	sadd.s32 $0x1, s0  }
0x16d: {  	v53 =	vmov s7  }
0x16e: {  	v54 =	vand.u32 $0x78, v53  }
0x16f: {  	v55 =	vadd.s32 v51, v54;
	[tilespmem:v2+s19+$0x0] =	vst.idx.msk $0xffff, v5;
	v2 =	vand.u32 $0x5, v53  }
0x170: {  	v5 =	vld [tilespmem:s1+$0xFFFFFFE0];
	v4 =	vor.u32 v2, v55;
	_ =	sdelay $0x4  }
0x171: {  	v56 =	vadd.s32 v3, v54;
	[tilespmem:v4+s19+$0x0] =	vst.idx.msk $0xffff, v5  }
0x172: {  	v2 =	vor.u32 v2, v56;
	v5 =	vld [tilespmem:s1+$0xFFFFFFF0];
	_ =	sdelay $0x1  }
0x173: {  	s8 =	sadd.s32 $0x2, s0  }
0x174: {  	v57 =	vmov s8  }
0x175: {  	v58 =	vand.u32 $0x78, v57  }
0x176: {  	v59 =	vadd.s32 v51, v58;
	[tilespmem:v2+s19+$0x0] =	vst.idx.msk $0xffff, v5;
	v2 =	vand.u32 $0x6, v57  }
0x177: {  	v5 =	vld [tilespmem:s1+$0x0];
	v4 =	vor.u32 v2, v59;
	_ =	sdelay $0x4  }
0x178: {  	v60 =	vadd.s32 v3, v58;
	[tilespmem:v4+s19+$0x0] =	vst.idx.msk $0xffff, v5  }
0x179: {  	v2 =	vor.u32 v2, v60;
	v5 =	vld [tilespmem:s1+$0x10];
	_ =	sdelay $0x1  }
0x17a: {  	s0 =	sadd.s32 $0x3, s0  }
0x17b: {  	v61 =	vmov s0  }
0x17c: {  	v62 =	vand.u32 $0x78, v61  }
0x17d: {  	v63 =	vadd.s32 v51, v62;
	[tilespmem:v2+s19+$0x0] =	vst.idx.msk $0xffff, v5;
	v2 =	vand.u32 $0x7, v61  }
0x17e: {  	v5 =	vld [tilespmem:s1+$0x20];
	v4 =	vor.u32 v2, v63;
	_ =	sdelay $0x4  }
0x17f: {  	v3 =	vadd.s32 v3, v62;
	[tilespmem:v4+s19+$0x0] =	vst.idx.msk $0xffff, v5  }
0x180: {  	v2 =	vor.u32 v2, v3;
	v4 =	vld [tilespmem:s1+$0x30]  }
0x181: {  	s7 =	sadd.s32 s4, s29  }
0x182: {  	s8 =	sshll.u32 s7, $0x2;
	s0 =	sand.u32 $0xC00, s7  }
0x183: {  	s0 =	sadd.s32 s2, s0;
	s1 =	sand.u32 $0xFFFC000, s8  }
0x184: {  	s30 =	simm.s32 $0x8400;
	s0 =	sadd.s32 s1, s0  }
0x185: {  	s31 =	simm.s32 $0x10;
	s1 =	simm.s32 $0x8488;
	s7 =	sadd.s32 $0x0, s0;
	[tilespmem:v2+s19+$0x0] =	vst.idx.msk $0xffff, v4  }
.LBB2_25:
0x186: {  	[hbm4b:s7+s3] =	stream.linear.scatter [tilespmem:s30], [sflag:$0x3], $0x80, $0x38;
	[tilespmem:$0x10C00] =	vst v63  }
0x187: {  	s7 =	smov.u32 s31;
	s30 =	smov.u32 s1;
	p0 =	sne.s32 s31, $0x1F0  }
.Ltmp11:
0x188: {  	s31 =	sadd.s32 $0x10, s31;
	(pc) =	sbr.rel @p0 .LBB2_25-.Ltmp11, $2  }
0x189: {  	_ =	sdelay $0x2  }
0x18a: {  	s1 =	sadd.s32 $0x88, s1;
	s7 =	sadd.s32 s7, s0  }
0x18b: {  	[hbm4b:s7+s3] =	stream.linear.scatter [tilespmem:s30], [sflag:$0x3], $0x80, $0x38;
	[tilespmem:$0x10C00] =	vst v63  }
0x18c: {  	s30 =	sadd.s32 $0x1000, s0;
	s31 =	simm.s32 $0x9500  }
0x18d: {  	s1 =	simm.s32 $0x10;
	s7 =	simm.s32 $0x9588;
	s8 =	sadd.s32 $0x0, s30  }
.LBB2_27:
0x18e: {  	[hbm4b:s8+s3] =	stream.linear.scatter [tilespmem:s31], [sflag:$0x3], $0x80, $0x38;
	[tilespmem:$0x10C00] =	vst v63  }
0x18f: {  	s8 =	smov.u32 s1;
	s31 =	smov.u32 s7;
	p0 =	sne.s32 s1, $0x1F0  }
.Ltmp12:
0x190: {  	s1 =	sadd.s32 $0x10, s1;
	(pc) =	sbr.rel @p0 .LBB2_27-.Ltmp12, $2  }
0x191: {  	_ =	sdelay $0x2  }
0x192: {  	s7 =	sadd.s32 $0x88, s7;
	s8 =	sadd.s32 s8, s30  }
0x193: {  	[hbm4b:s8+s3] =	stream.linear.scatter [tilespmem:s31], [sflag:$0x3], $0x80, $0x38;
	[tilespmem:$0x10C00] =	vst v63  }
0x194: {  	s30 =	sadd.s32 $0x2000, s0;
	s31 =	simm.s32 $0xA600  }
0x195: {  	s1 =	simm.s32 $0x10;
	s7 =	simm.s32 $0xA688;
	s8 =	sadd.s32 $0x0, s30  }
.LBB2_29:
0x196: {  	[hbm4b:s8+s3] =	stream.linear.scatter [tilespmem:s31], [sflag:$0x3], $0x80, $0x38;
	[tilespmem:$0x10C00] =	vst v63  }
0x197: {  	s8 =	smov.u32 s1;
	s31 =	smov.u32 s7;
	p0 =	sne.s32 s1, $0x1F0  }
.Ltmp13:
0x198: {  	s1 =	sadd.s32 $0x10, s1;
	(pc) =	sbr.rel @p0 .LBB2_29-.Ltmp13, $2  }
0x199: {  	_ =	sdelay $0x2  }
0x19a: {  	s7 =	sadd.s32 $0x88, s7;
	s8 =	sadd.s32 s8, s30  }
0x19b: {  	[hbm4b:s8+s3] =	stream.linear.scatter [tilespmem:s31], [sflag:$0x3], $0x80, $0x38;
	[tilespmem:$0x10C00] =	vst v63  }
0x19c: {  	s0 =	sadd.s32 $0x3000, s0;
	s30 =	simm.s32 $0xB700  }
0x19d: {  	s1 =	simm.s32 $0x10;
	s7 =	simm.s32 $0xB788;
	s8 =	sadd.s32 $0x0, s0  }
.LBB2_31:
0x19e: {  	[hbm4b:s8+s3] =	stream.linear.scatter [tilespmem:s30], [sflag:$0x3], $0x80, $0x38;
	[tilespmem:$0x10C00] =	vst v63  }
0x19f: {  	s8 =	smov.u32 s1;
	s30 =	smov.u32 s7;
	p0 =	sne.s32 s1, $0x1F0  }
.Ltmp14:
0x1a0: {  	s1 =	sadd.s32 $0x10, s1;
	(pc) =	sbr.rel @p0 .LBB2_31-.Ltmp14, $2  }
0x1a1: {  	_ =	sdelay $0x2  }
0x1a2: {  	s7 =	sadd.s32 $0x88, s7;
	s8 =	sadd.s32 s8, s0  }
0x1a3: {  	[hbm4b:s8+s3] =	stream.linear.scatter [tilespmem:s30], [sflag:$0x3], $0x80, $0x38;
	[tilespmem:$0x10C00] =	vst v63  }
0x1a4: {  	p0 =	seq.s32 s28, $0x17  }
0x1a5: {  	s0 =	sadd.s32 @!p0 s29, s9  }
0x1a6: {  	s0 =	sshrl.u32 @!p0 s0, $0x3  }
0x1a7: {  	s1 =	simm.s32 @!p0 $0x0;
	s0 =	sadd.s32 @!p0 s5, s0  }
0x1a8: {  	[tilespmem:s1], [sflag:$0x5] =	stream.linear.gather @!p0 [hbm4b:s0+s1], $0x200, $0x38;
	[tilespmem:$0x10C00] =	vst v63  }
0x1a9: {  	s0 =	simm.s32 @!p0 $0x5  }
0x1aa: {  	_ =	swait.ge @!p0 [sflag:s0], $0x200  }
0x1ab: {  	s31 =	simm.s32 $0x0;
	[sflag:s0] =	ssyncset.done @!p0 $0x0  }
0x1ac: {  	s7 =	simm.s32 @!p0 $0x400;
	[sflag:s0] =	ssyncadd.s32 @!p0 $0xFFFFFE00;
	s0 =	simm.s32 @!p0 $0x200  }
0x1ad: {  	v2 =	vmov s31;
	[tilespmem:s7], [sflag:$0x1] =	stream.indirect.gather @!p0 [hbm4b:s6+s0], $0x20, s1, s0, $0xb8;
	[tilespmem:$0x10C00] =	vst v63  }
0x1ae: {  	v2 =	vmul.u32 $0x440, v2;
	_ =	swait.ge [sflag:s20], $0x4000  }
0x1af: {  	[sflag:s20] =	ssyncset.done $0x0  }
0x1b0: {  	s28 =	simm.s32 $0x0;
	v2 =	vbroadcast v2, $0x0;
	[sflag:s20] =	ssyncadd.s32 $0xFFFFC000  }
0x1b1: {  	v3 =	vmov s28;
	_ =	swait.ge [sflag:s23], $0x4000  }
0x1b2: {  	v4 =	vand.u32 $0x78, v3;
	v5 =	vadd.s32 v0, v2;
	[sflag:s23] =	ssyncset.done $0x0  }
0x1b3: {  	s29 =	simm.s32 $0x4440;
	v3 =	vand.u32 $0x4, v3;
	v6 =	vadd.s32 v4, v5;
	[sflag:s23] =	ssyncadd.s32 $0xFFFFC000  }
0x1b4: {  	v6 =	vor.u32 v3, v6;
	v7 =	vld [tilespmem:s29+$0xFFFFFFC0];
	_ =	sdelay $0x3  }
0x1b5: {  	v2 =	vadd.s32 v1, v2  }
0x1b6: {  	v4 =	vadd.s32 v4, v2;
	[tilespmem:v6+s21+$0x0] =	vst.idx.msk $0xffff, v7  }
0x1b7: {  	v3 =	vor.u32 v3, v4;
	v6 =	vld [tilespmem:s29+$0xFFFFFFD0];
	_ =	sdelay $0x1  }
0x1b8: {  	s8 =	simm.s32 $0x1  }
0x1b9: {  	v4 =	vmov s8  }
0x1ba: {  	v7 =	vand.u32 $0x78, v4  }
0x1bb: {  	[tilespmem:v3+s21+$0x0] =	vst.idx.msk $0xffff, v6;
	v3 =	vand.u32 $0x5, v4;
	v4 =	vadd.s32 v5, v7  }
0x1bc: {  	v6 =	vld [tilespmem:s29+$0xFFFFFFE0];
	v4 =	vor.u32 v3, v4;
	_ =	sdelay $0x4  }
0x1bd: {  	[tilespmem:v4+s21+$0x0] =	vst.idx.msk $0xffff, v6;
	v4 =	vadd.s32 v2, v7  }
0x1be: {  	v6 =	vld [tilespmem:s29+$0xFFFFFFF0];
	v3 =	vor.u32 v3, v4;
	_ =	sdelay $0x1  }
0x1bf: {  	s30 =	simm.s32 $0x2  }
0x1c0: {  	v4 =	vmov s30  }
0x1c1: {  	v7 =	vand.u32 $0x78, v4  }
0x1c2: {  	[tilespmem:v3+s21+$0x0] =	vst.idx.msk $0xffff, v6;
	v3 =	vand.u32 $0x6, v4;
	v4 =	vadd.s32 v5, v7  }
0x1c3: {  	v6 =	vld [tilespmem:s29+$0x0];
	v4 =	vor.u32 v3, v4;
	_ =	sdelay $0x4  }
0x1c4: {  	[tilespmem:v4+s21+$0x0] =	vst.idx.msk $0xffff, v6;
	v4 =	vadd.s32 v2, v7  }
0x1c5: {  	v6 =	vld [tilespmem:s29+$0x10];
	v3 =	vor.u32 v3, v4;
	_ =	sdelay $0x1  }
0x1c6: {  	s31 =	simm.s32 $0x3  }
0x1c7: {  	v7 =	vmov s31  }
0x1c8: {  	v4 =	vand.u32 $0x78, v7  }
0x1c9: {  	[tilespmem:v3+s21+$0x0] =	vst.idx.msk $0xffff, v6;
	v3 =	vand.u32 $0x7, v7;
	v6 =	vadd.s32 v5, v4  }
0x1ca: {  	v5 =	vld [tilespmem:s29+$0x20];
	v6 =	vor.u32 v3, v6;
	_ =	sdelay $0x3  }
0x1cb: {  	s1 =	simm.s32 $0x0;
	s0 =	simm.s32 $0x2  }
.LBB2_33:
0x1cc: {  	p0 =	sne.s32 s0, $0x7F;
	v7 =	vmov s1;
	[tilespmem:v6+s21+$0x0] =	vst.idx.msk $0xffff, v5;
	v2 =	vadd.s32 v2, v4  }
0x1cd: {  	v4 =	vmul.u32 $0x440, v7;
	v5 =	vld [tilespmem:s29+$0x30];
	v2 =	vor.u32 v3, v2;
	_ =	sdelay $0x1  }
0x1ce: {  	s28 =	sadd.s32 $0x4, s28;
	v3 =	vbroadcast v4, $0x0  }
0x1cf: {  	v4 =	vmov s28  }
0x1d0: {  	v6 =	vand.u32 $0x78, v4;
	v7 =	vadd.s32 v0, v3  }
0x1d1: {  	s29 =	sadd.s32 $0x80, s29;
	v4 =	vand.u32 $0x4, v4;
	v8 =	vadd.s32 v6, v7;
	[tilespmem:v2+s21+$0x0] =	vst.idx.msk $0xffff, v5  }
0x1d2: {  	v5 =	vld [tilespmem:s29+$0xFFFFFFC0];
	v8 =	vor.u32 v4, v8;
	_ =	sdelay $0x3  }
0x1d3: {  	v2 =	vadd.s32 v1, v3  }
0x1d4: {  	v3 =	vadd.s32 v6, v2;
	[tilespmem:v8+s21+$0x0] =	vst.idx.msk $0xffff, v5  }
0x1d5: {  	v3 =	vor.u32 v4, v3;
	v5 =	vld [tilespmem:s29+$0xFFFFFFD0];
	_ =	sdelay $0x1  }
0x1d6: {  	s1 =	sadd.s32 $0x1, s28  }
0x1d7: {  	v4 =	vmov s1  }
0x1d8: {  	v6 =	vand.u32 $0x78, v4  }
0x1d9: {  	[tilespmem:v3+s21+$0x0] =	vst.idx.msk $0xffff, v5;
	v3 =	vand.u32 $0x5, v4;
	v4 =	vadd.s32 v7, v6  }
0x1da: {  	v5 =	vld [tilespmem:s29+$0xFFFFFFE0];
	v4 =	vor.u32 v3, v4;
	_ =	sdelay $0x4  }
0x1db: {  	[tilespmem:v4+s21+$0x0] =	vst.idx.msk $0xffff, v5;
	v4 =	vadd.s32 v2, v6  }
0x1dc: {  	v5 =	vld [tilespmem:s29+$0xFFFFFFF0];
	v3 =	vor.u32 v3, v4;
	_ =	sdelay $0x1  }
0x1dd: {  	s1 =	sadd.s32 $0x2, s28  }
0x1de: {  	v4 =	vmov s1  }
0x1df: {  	v6 =	vand.u32 $0x78, v4  }
0x1e0: {  	[tilespmem:v3+s21+$0x0] =	vst.idx.msk $0xffff, v5;
	v3 =	vand.u32 $0x6, v4;
	v4 =	vadd.s32 v7, v6  }
0x1e1: {  	v5 =	vld [tilespmem:s29+$0x0];
	v4 =	vor.u32 v3, v4;
	_ =	sdelay $0x4  }
0x1e2: {  	[tilespmem:v4+s21+$0x0] =	vst.idx.msk $0xffff, v5;
	v4 =	vadd.s32 v2, v6  }
0x1e3: {  	v5 =	vld [tilespmem:s29+$0x10];
	v3 =	vor.u32 v3, v4;
	_ =	sdelay $0x1  }
0x1e4: {  	s1 =	sadd.s32 $0x3, s28  }
0x1e5: {  	v6 =	vmov s1  }
0x1e6: {  	v4 =	vand.u32 $0x78, v6  }
0x1e7: {  	[tilespmem:v3+s21+$0x0] =	vst.idx.msk $0xffff, v5;
	v3 =	vand.u32 $0x7, v6;
	v6 =	vadd.s32 v7, v4  }
.Ltmp15:
0x1e8: {  	v5 =	vld [tilespmem:s29+$0x20];
	v6 =	vor.u32 v3, v6;
	(pc) =	sbr.rel @p0 .LBB2_33-.Ltmp15, $2  }
0x1e9: {  	_ =	sdelay $0x2  }
0x1ea: {  	s1 =	sshrl.u32 s0, $0x5;
	s0 =	sadd.s32 $0x1, s0  }
0x1eb: {  	_ =	sdelay $0x3  }
0x1ec: {  	v7 =	vmov s1;
	[tilespmem:v6+s21+$0x0] =	vst.idx.msk $0xffff, v5;
	v2 =	vadd.s32 v2, v4  }
0x1ed: {  	v48 =	vmul.u32 $0x440, v7;
	v5 =	vld [tilespmem:s29+$0x30];
	v2 =	vor.u32 v3, v2;
	_ =	sdelay $0x1  }
0x1ee: {  	s0 =	sadd.s32 $0x4, s28;
	v3 =	vbroadcast v48, $0x0  }
0x1ef: {  	v49 =	vmov s0  }
0x1f0: {  	v50 =	vand.u32 $0x78, v49;
	v51 =	vadd.s32 v0, v3  }
0x1f1: {  	s28 =	sadd.s32 $0x80, s29;
	v4 =	vand.u32 $0x4, v49;
	v8 =	vadd.s32 v50, v51;
	[tilespmem:v2+s21+$0x0] =	vst.idx.msk $0xffff, v5  }
0x1f2: {  	v2 =	vld [tilespmem:s28+$0xFFFFFFC0];
	v52 =	vor.u32 v4, v8;
	_ =	sdelay $0x3  }
0x1f3: {  	v3 =	vadd.s32 v1, v3  }
0x1f4: {  	[tilespmem:v52+s21+$0x0] =	vst.idx.msk $0xffff, v2;
	v2 =	vadd.s32 v50, v3  }
0x1f5: {  	v5 =	vld [tilespmem:s28+$0xFFFFFFD0];
	v2 =	vor.u32 v4, v2;
	_ =	sdelay $0x1  }
0x1f6: {  	s7 =	sadd.s32 $0x1, s0  }
0x1f7: {  	v53 =	vmov s7  }
0x1f8: {  	v54 =	vand.u32 $0x78, v53  }
0x1f9: {  	v55 =	vadd.s32 v51, v54;
	[tilespmem:v2+s21+$0x0] =	vst.idx.msk $0xffff, v5;
	v2 =	vand.u32 $0x5, v53  }
0x1fa: {  	v5 =	vld [tilespmem:s28+$0xFFFFFFE0];
	v4 =	vor.u32 v2, v55;
	_ =	sdelay $0x4  }
0x1fb: {  	v56 =	vadd.s32 v3, v54;
	[tilespmem:v4+s21+$0x0] =	vst.idx.msk $0xffff, v5  }
0x1fc: {  	v2 =	vor.u32 v2, v56;
	v5 =	vld [tilespmem:s28+$0xFFFFFFF0];
	_ =	sdelay $0x1  }
0x1fd: {  	s29 =	sadd.s32 $0x2, s0  }
0x1fe: {  	v57 =	vmov s29  }
0x1ff: {  	v58 =	vand.u32 $0x78, v57  }
0x200: {  	v59 =	vadd.s32 v51, v58;
	[tilespmem:v2+s21+$0x0] =	vst.idx.msk $0xffff, v5;
	v2 =	vand.u32 $0x6, v57  }
0x201: {  	v5 =	vld [tilespmem:s28+$0x0];
	v4 =	vor.u32 v2, v59;
	_ =	sdelay $0x4  }
0x202: {  	v60 =	vadd.s32 v3, v58;
	[tilespmem:v4+s21+$0x0] =	vst.idx.msk $0xffff, v5  }
0x203: {  	v2 =	vor.u32 v2, v60;
	v5 =	vld [tilespmem:s28+$0x10];
	_ =	sdelay $0x1  }
0x204: {  	s0 =	sadd.s32 $0x3, s0  }
0x205: {  	v61 =	vmov s0  }
0x206: {  	v62 =	vand.u32 $0x78, v61  }
0x207: {  	v63 =	vadd.s32 v51, v62;
	[tilespmem:v2+s21+$0x0] =	vst.idx.msk $0xffff, v5;
	v2 =	vand.u32 $0x7, v61  }
0x208: {  	v5 =	vld [tilespmem:s28+$0x20];
	v4 =	vor.u32 v2, v63;
	_ =	sdelay $0x4  }
0x209: {  	v3 =	vadd.s32 v3, v62;
	[tilespmem:v4+s21+$0x0] =	vst.idx.msk $0xffff, v5  }
0x20a: {  	v2 =	vor.u32 v2, v3;
	v4 =	vld [tilespmem:s28+$0x30];
	_ =	sdelay $0x1  }
0x20b: {  	s30 =	sshll.u32 s26, $0x2;
	s31 =	sand.u32 $0xE00, s26  }
0x20c: {  	s1 =	sadd.s32 s2, s31;
	s0 =	sand.u32 $0xFFFC000, s30  }
0x20d: {  	s26 =	simm.s32 $0xC800;
	s0 =	sadd.s32 s0, s1  }
0x20e: {  	s7 =	simm.s32 $0xC888;
	s1 =	simm.s32 $0x10;
	s8 =	sadd.s32 $0x0, s0;
	[tilespmem:v2+s21+$0x0] =	vst.idx.msk $0xffff, v4  }
.LBB2_35:
0x20f: {  	[hbm4b:s8+s3] =	stream.linear.scatter [tilespmem:s26], [sflag:$0x4], $0x80, $0x38;
	[tilespmem:$0x10C00] =	vst v63  }
0x210: {  	s8 =	smov.u32 s1;
	s26 =	smov.u32 s7;
	p0 =	sne.s32 s1, $0x1F0  }
.Ltmp16:
0x211: {  	s1 =	sadd.s32 $0x10, s1;
	(pc) =	sbr.rel @p0 .LBB2_35-.Ltmp16, $2  }
0x212: {  	_ =	sdelay $0x2  }
0x213: {  	s7 =	sadd.s32 $0x88, s7;
	s8 =	sadd.s32 s8, s0  }
0x214: {  	[hbm4b:s8+s3] =	stream.linear.scatter [tilespmem:s26], [sflag:$0x4], $0x80, $0x38;
	[tilespmem:$0x10C00] =	vst v63  }
0x215: {  	s26 =	sadd.s32 $0x1000, s0;
	s28 =	simm.s32 $0xD900  }
0x216: {  	s1 =	simm.s32 $0x10;
	s7 =	simm.s32 $0xD988;
	s8 =	sadd.s32 $0x0, s26  }
.LBB2_37:
0x217: {  	[hbm4b:s8+s3] =	stream.linear.scatter [tilespmem:s28], [sflag:$0x4], $0x80, $0x38;
	[tilespmem:$0x10C00] =	vst v63  }
0x218: {  	s8 =	smov.u32 s1;
	s28 =	smov.u32 s7;
	p0 =	sne.s32 s1, $0x1F0  }
.Ltmp17:
0x219: {  	s1 =	sadd.s32 $0x10, s1;
	(pc) =	sbr.rel @p0 .LBB2_37-.Ltmp17, $2  }
0x21a: {  	_ =	sdelay $0x2  }
0x21b: {  	s7 =	sadd.s32 $0x88, s7;
	s8 =	sadd.s32 s8, s26  }
0x21c: {  	[hbm4b:s8+s3] =	stream.linear.scatter [tilespmem:s28], [sflag:$0x4], $0x80, $0x38;
	[tilespmem:$0x10C00] =	vst v63  }
0x21d: {  	s26 =	sadd.s32 $0x2000, s0;
	s28 =	simm.s32 $0xEA00  }
0x21e: {  	s1 =	simm.s32 $0x10;
	s7 =	simm.s32 $0xEA88;
	s8 =	sadd.s32 $0x0, s26  }
.LBB2_39:
0x21f: {  	[hbm4b:s8+s3] =	stream.linear.scatter [tilespmem:s28], [sflag:$0x4], $0x80, $0x38;
	[tilespmem:$0x10C00] =	vst v63  }
0x220: {  	s8 =	smov.u32 s1;
	s28 =	smov.u32 s7;
	p0 =	sne.s32 s1, $0x1F0  }
.Ltmp18:
0x221: {  	s1 =	sadd.s32 $0x10, s1;
	(pc) =	sbr.rel @p0 .LBB2_39-.Ltmp18, $2  }
0x222: {  	_ =	sdelay $0x2  }
0x223: {  	s7 =	sadd.s32 $0x88, s7;
	s8 =	sadd.s32 s8, s26  }
0x224: {  	[hbm4b:s8+s3] =	stream.linear.scatter [tilespmem:s28], [sflag:$0x4], $0x80, $0x38;
	[tilespmem:$0x10C00] =	vst v63  }
0x225: {  	s0 =	sadd.s32 $0x3000, s0;
	s26 =	simm.s32 $0xFB00  }
0x226: {  	s1 =	simm.s32 $0x10;
	s7 =	simm.s32 $0xFB88;
	s8 =	sadd.s32 $0x0, s0  }
.LBB2_41:
0x227: {  	[hbm4b:s8+s3] =	stream.linear.scatter [tilespmem:s26], [sflag:$0x4], $0x80, $0x38;
	[tilespmem:$0x10C00] =	vst v63  }
0x228: {  	s8 =	smov.u32 s1;
	s26 =	smov.u32 s7;
	p0 =	sne.s32 s1, $0x1F0  }
.Ltmp19:
0x229: {  	s1 =	sadd.s32 $0x10, s1;
	(pc) =	sbr.rel @p0 .LBB2_41-.Ltmp19, $2  }
0x22a: {  	_ =	sdelay $0x2  }
0x22b: {  	s7 =	sadd.s32 $0x88, s7;
	s8 =	sadd.s32 s8, s0  }
0x22c: {  	p0 =	sne.s32 s25, $0x18  }
.Ltmp20:
0x22d: {  	_ = 	snop;
	(pc) =	sbr.rel @p0 .LBB2_22-.Ltmp20, $3  }
0x22e: {  	_ =	sdelay $0x1  }
0x22f: {  	[hbm4b:s8+s3] =	stream.linear.scatter [tilespmem:s26], [sflag:$0x4], $0x80, $0x38;
	[tilespmem:$0x10C00] =	vst v63  }
0x230: {  	s28 =	smov.u32 s25  }
0x231: {  	s24 =	sadd.s32 $0x1, s24  }
0x232: {  	_ =	swait.ge [sflag:s22], $0x4000;
	p0 =	sne.s32 s24, s13  }
.Ltmp21:
0x233: {  	[sflag:s22] =	ssyncset.done $0x0;
	(pc) =	sbr.rel @p0 .LBB2_1-.Ltmp21, $4  }
0x234: {  	[sflag:s22] =	ssyncadd.s32 $0xFFFFC000  }
0x235: {  	_ =	swait.ge [sflag:s23], $0x4000  }
0x236: {  	[sflag:s23] =	ssyncset.done $0x0  }
0x237: {  	[sflag:s23] =	ssyncadd.s32 $0xFFFFC000  }
0x238: {  	_ =	sfence.sel $0x180000  }
0x239: {  	[bflag:$0x0] =	sbarrier.arrive $0xFFFF  }
0x23a: {  	_ =	strace $0x90000047  }
0x23b: {  	s0 =	stileid.u32;
	[bflag:$0x2] =	sbarrier.arrive $0xFFFF  }
0x23c: {  	p0 =	sne.s32 s0, $0x0;
	s0 =	rddreg [dreg:$0x2]  }
0x23d: {  	s0 =	sadd.s32 @!p0 $0x100000, s0  }
0x23e: {  	[sflag:s0] =	ssyncadd.tile.s32 @!p0 $0x1;
	_ =	shalt  }
.Lfunc_end2:
_tile_overlayer_lowered:
.L_overlay_start_2:
0x23f: {  	(tag) =	ssettag $0x2  }
0x240: {  	s0 =	rddreg [dreg:$0x0];
	s2 =	stileid.u32  }
0x241: {  	s1 =	rddreg [dreg:$0x1];
	p0 =	sne.s32 s2, $0x0  }
0x242: {  	s3 =	rddreg [dreg:$0x2];
	[bflag:$0x3] =	sbarrier.arrive $0xFFFF;
	s2 =	simm.s32 @!p0 $0x1C05  }
0x243: {  	[timem:s3], [sflag:s2] =	dma.local @!p0 [hbm:s0], s1  }
0x244: {  	s0 =	simm.s32 @!p0 $0x5  }
0x245: {  	_ =	swait.ge @!p0 [sflag:s0], s1  }
0x246: {  	s1 =	ssub.s32 @!p0 $0x0, s1;
	[sflag:s0] =	ssyncset.done @!p0 $0x0  }
0x247: {  	[sflag:s0] =	ssyncadd.s32 @!p0 s1  }
0x248: {  	[bflag:$0x3] =	sbarrier.arrive $0xFFFF  }
0x249: {  	_ =	shalt  }

</sc_bundles>
